<compile_context>
chip_gen: v7x
topology: tpu7x:2x2x1
jax: 0.10.2.dev20260603
libtpu: 0.0.44.dev20260713+nightly
codegen_flags: <defaults>
</compile_context>

<pallas_src>
import functools

import jax
import jax.numpy as jnp
from jax import lax
from jax.experimental import pallas as pl
from jax.experimental.pallas import tpu as pltpu
from jax.experimental.pallas import tpu_sc as plsc

N = 1024
D = 2048
E = 8
HID = 512
H2 = 2 * HID
OUT = 2048
SCALE = 12.0
EPS = 1e-5
NORM_EPS = 1e-4

PREP_CHUNK = 256
FIN_CHUNK = 256

_NC = 2
_NS = 16
_NW = _NC * _NS
_LANES = 16
_TOK_W = N // _NW
_ELE_W = _TOK_W * E


def _silu(g):
    return g * jax.nn.sigmoid(g)



def _logits_body(flat_ref, lnpre_ref, rw_ref, xs_ref, logits_ref):
    rw = rw_ref[...]
    wn = jnp.sqrt(jnp.sum(rw * rw, axis=1, keepdims=True))
    wq = rw / jnp.maximum(wn, NORM_EPS)
    flat = flat_ref[...]
    ms = jnp.mean(flat * flat, axis=1, keepdims=True)
    xs = flat * lax.rsqrt(ms + EPS) * lnpre_ref[...]
    xs_ref[...] = xs.astype(jnp.bfloat16)
    xn = jnp.sqrt(jnp.sum(xs * xs, axis=1, keepdims=True))
    xq = xs / jnp.maximum(xn, NORM_EPS)
    logits_ref[...] = jax.lax.dot_general(
        wq, xq, (((1,), (1,)), ((), ())),
        preferred_element_type=jnp.float32) * SCALE



def _sc_router_body(logits_hbm, gates_hbm, lbuf, gbuf, sem):
    wid = lax.axis_index("s") * _NC + lax.axis_index("c")
    base = wid * _TOK_W
    cps = [pltpu.async_copy(logits_hbm.at[t, pl.ds(base, _TOK_W)],
                            lbuf.at[pl.ds(t * _TOK_W, _TOK_W)], sem)
           for t in range(E)]
    for c in cps:
        c.wait()
    for grp in range(_TOK_W // _LANES):
        neg = jnp.full((_LANES,), -1e30, jnp.float32)
        m1 = neg
        m2 = neg
        i1 = jnp.zeros((_LANES,), jnp.int32)
        i2 = jnp.zeros((_LANES,), jnp.int32)
        for t in range(E):
            le = lbuf[pl.ds(t * _TOK_W + grp * _LANES, _LANES)]
            gt1 = le > m1
            gt2 = le > m2
            m2n = jnp.where(gt1, m1, jnp.where(gt2, le, m2))
            i2n = jnp.where(gt1, i1, jnp.where(gt2, t, i2))
            m1 = jnp.where(gt1, le, m1)
            i1 = jnp.where(gt1, t, i1)
            m2, i2 = m2n, i2n
        w1 = 1.0 / (1.0 + jnp.exp(m2 - m1))
        w2 = 1.0 - w1
        zero = jnp.zeros((_LANES,), jnp.float32)
        for t in range(E):
            gbuf[pl.ds(t * _TOK_W + grp * _LANES, _LANES)] = jnp.where(
                i1 == t, w1, jnp.where(i2 == t, w2, zero))
    cps = [pltpu.async_copy(gbuf.at[pl.ds(t * _TOK_W, _TOK_W)],
                            gates_hbm.at[t, pl.ds(base, _TOK_W)], sem)
           for t in range(E)]
    for c in cps:
        c.wait()


@functools.partial(
    pl.kernel,
    mesh=plsc.VectorSubcoreMesh(core_axis_name="c", subcore_axis_name="s"),
    out_type=jax.ShapeDtypeStruct((E, N), jnp.float32),
    scratch_types=[
        pltpu.VMEM((_ELE_W,), jnp.float32),
        pltpu.VMEM((_ELE_W,), jnp.float32),
        pltpu.SemaphoreType.DMA,
    ],
)
def _sc_router(logits_hbm, gates_hbm, lbuf, gbuf, sem):
    _sc_router_body(logits_hbm, gates_hbm, lbuf, gbuf, sem)



def _main_body(xs_ref, gatest_ref, sw12_ref, sw3_ref,
               ew12_ref, ew3_ref, lnpost_ref, out_ref, gates_ref, g_ref):
    e = pl.program_id(0)
    j = pl.program_id(1)

    @pl.when(jnp.logical_and(e == 0, j == 0))
    def _prep():
        gates_ref[...] = gatest_ref[...].T

        xsb = xs_ref[...]
        gs = jax.lax.dot_general(
            xsb, sw12_ref[pl.ds(0, HID), :].astype(jnp.bfloat16),
            (((1,), (1,)), ((), ())), preferred_element_type=jnp.float32)
        vs = jax.lax.dot_general(
            xsb, sw12_ref[pl.ds(HID, HID), :].astype(jnp.bfloat16),
            (((1,), (1,)), ((), ())), preferred_element_type=jnp.float32)
        actb = (_silu(gs) * vs).astype(jnp.bfloat16)
        for o in range(4):
            cols = pl.ds(o * (OUT // 4), OUT // 4)
            w3b = sw3_ref[cols, :].astype(jnp.bfloat16)
            out_ref[:, cols] = jax.lax.dot_general(
                actb, w3b, (((1,), (1,)), ((), ())),
                preferred_element_type=jnp.float32)

    @pl.when(j == 0)
    def _gate_proj():
        g_ref[...] = jax.lax.dot_general(
            xs_ref[...], ew12_ref[0].astype(jnp.bfloat16),
            (((1,), (1,)), ((), ())), preferred_element_type=jnp.float32)

    @pl.when(j == 1)
    def _value_proj():
        v = jax.lax.dot_general(
            xs_ref[...], ew12_ref[0].astype(jnp.bfloat16),
            (((1,), (1,)), ((), ())), preferred_element_type=jnp.float32)
        lane = jax.lax.broadcasted_iota(jnp.int32, (N, E), 1)
        gate = jnp.sum(jnp.where(lane == e, gates_ref[...], 0.0),
                       axis=1, keepdims=True)
        actb = (_silu(g_ref[...]) * v * gate).astype(jnp.bfloat16)
        for o in range(4):
            cols = pl.ds(o * (OUT // 4), OUT // 4)
            w3b = ew3_ref[0, cols, :].astype(jnp.bfloat16)
            out_ref[:, cols] += jax.lax.dot_general(
                actb, w3b, (((1,), (1,)), ((), ())),
                preferred_element_type=jnp.float32)

        @pl.when(e == E - 1)
        def _fin():
            lnpost = lnpost_ref[...]
            for c in range(N // FIN_CHUNK):
                rows = pl.ds(c * FIN_CHUNK, FIN_CHUNK)
                r = out_ref[rows, :]
                ms = jnp.mean(r * r, axis=1, keepdims=True)
                out_ref[rows, :] = r * lax.rsqrt(ms + EPS) * lnpost


def _full(shape):
    return pl.BlockSpec(shape, lambda *_: (0,) * len(shape))


def _impl(x, ln_pre_w, ln_post_w, router_w, shared_w12, shared_w3,
          expert_w12, expert_w3, interpret):
    flat = x.reshape(N, D)
    lnpre = ln_pre_w.reshape(1, D)
    lnpost = ln_post_w.reshape(1, OUT)

    xs, logits_t = pl.pallas_call(
        _logits_body,
        grid=(N // PREP_CHUNK,),
        in_specs=[
            pl.BlockSpec((PREP_CHUNK, D), lambda c: (c, 0)),
            _full((1, D)),
            _full((E, D)),
        ],
        out_specs=(
            pl.BlockSpec((PREP_CHUNK, D), lambda c: (c, 0)),
            pl.BlockSpec((E, PREP_CHUNK), lambda c: (0, c)),
        ),
        out_shape=(
            jax.ShapeDtypeStruct((N, D), jnp.bfloat16),
            jax.ShapeDtypeStruct((E, N), jnp.float32),
        ),
        compiler_params=pltpu.CompilerParams(
            dimension_semantics=("arbitrary",)),
        interpret=interpret,
    )(flat, lnpre, router_w)

    gates_t = _sc_router(logits_t)

    out = pl.pallas_call(
        _main_body,
        grid=(E, 2),
        in_specs=[
            _full((N, D)),
            _full((E, N)),
            _full((H2, D)),
            _full((OUT, HID)),
            pl.BlockSpec((1, HID, D), lambda e, j: (e, j, 0)),
            pl.BlockSpec((1, OUT, HID), lambda e, j: (e, 0, 0)),
            _full((1, OUT)),
        ],
        out_specs=_full((N, OUT)),
        out_shape=jax.ShapeDtypeStruct((N, OUT), jnp.float32),
        scratch_shapes=[
            pltpu.VMEM((N, E), jnp.float32),
            pltpu.VMEM((N, HID), jnp.float32),
        ],
        compiler_params=pltpu.CompilerParams(
            dimension_semantics=("arbitrary", "arbitrary"),
            vmem_limit_bytes=66912256),
        interpret=interpret,
    )(xs, gates_t, shared_w12, shared_w3,
      expert_w12, expert_w3, lnpost)

    return out.reshape(1, N, OUT)


def kernel(x, ln_pre_w, ln_post_w, router_w, shared_w12, shared_w3,
           expert_w12, expert_w3):
    return _impl(x, ln_pre_w, ln_post_w, router_w, shared_w12, shared_w3,
                 expert_w12, expert_w3, False)

# --- scband reference (transcript-rebuilt; emitter-appended) ---
"""Pipeline reference for scband-mo-eaudio-projector-8280696946748 (READ-ONLY COPY).

The authoritative reference and input builder live on the scoring server;
editing this copy changes nothing except your own understanding.
"""

import jax, jax.numpy as jnp
import numpy as np

B, T, ENC = 1, 2048, 1024
K = 2
E = 8
TOPK = 2
IN_DIM = ENC * K
HID = 512
OUT = 2048
SCALE = 12.0

def setup_inputs(seed: int = 0) -> dict:
    key = jax.random.key(seed)
    ks = jax.random.split(key, 8)
    inp = {}
    inp['x'] = jax.random.normal(ks[0], (B, T, ENC), dtype=jnp.float32)
    inp['ln_pre_w'] = jnp.ones((IN_DIM,), dtype=jnp.float32)
    inp['ln_post_w'] = jnp.ones((OUT,), dtype=jnp.float32)
    inp['router_w'] = jax.random.normal(ks[1], (E, IN_DIM), dtype=jnp.float32) * 0.02
    inp['shared_w12'] = jax.random.normal(ks[2], (2 * HID, IN_DIM), dtype=jnp.float32) * 0.02
    inp['shared_w3'] = jax.random.normal(ks[3], (OUT, HID), dtype=jnp.float32) * 0.02
    inp['expert_w12'] = jax.random.normal(ks[4], (E, 2 * HID, IN_DIM), dtype=jnp.float32) * 0.02
    inp['expert_w3'] = jax.random.normal(ks[5], (E, OUT, HID), dtype=jnp.float32) * 0.02
    return inp

def _rmsnorm(x, w, eps=1e-5):
    return x * jax.lax.rsqrt(jnp.mean(x * x, axis=-1, keepdims=True) + eps) * w

def _safe_normalize(x, eps=1e-4):
    n = jnp.linalg.norm(x.astype(jnp.float32), axis=-1, keepdims=True)
    n = jnp.maximum(n, eps)
    return x / n.astype(x.dtype)

def _swiglu(x, w12, w3):
    h = x @ w12.T
    g, v = jnp.split(h, 2, axis=-1)
    return (jax.nn.silu(g) * v) @ w3.T

def reference(x, ln_pre_w, ln_post_w, router_w, shared_w12, shared_w3, expert_w12, expert_w3):
    Bx, Tx, D = x.shape
    # pool: stack k consecutive frames
    xs = x.reshape(Bx, Tx // K, D * K)
    xs = _rmsnorm(xs, ln_pre_w)
    flat = xs.reshape(-1, D * K)
    N = flat.shape[0]
    # cosine router with scale
    xq = _safe_normalize(flat)
    wq = _safe_normalize(router_w)
    logits = (xq @ wq.T) * SCALE
    probs = jax.nn.softmax(logits, axis=-1)
    topw, topi = jax.lax.top_k(probs, TOPK)
    topw = topw / jnp.sum(topw, axis=-1, keepdims=True)
    # scatter top-k gate weights into dense [N, E] combine matrix
    gates = jnp.zeros((N, E), dtype=flat.dtype).at[jnp.arange(N)[:, None], topi].set(topw)
    # shared expert (always on)
    shared = _swiglu(flat, shared_w12, shared_w3)
    # routed experts
    h = jnp.einsum('nd,ehd->enh', flat, expert_w12)
    g, v = jnp.split(h, 2, axis=-1)
    act = jax.nn.silu(g) * v
    eout = jnp.einsum('enh,eoh->eno', act, expert_w3)
    moe = jnp.einsum('eno,ne->no', eout, gates)
    out = _rmsnorm(shared + moe, ln_post_w)
    return out.reshape(Bx, Tx // K, OUT)

if __name__ == "__main__":
    import jax
    _d = setup_inputs()
    print(jax.jit(kernel)(*tuple(_d.values())))

</pallas_src>

<mosaic_0001>
#map = affine_map<(d0, d1) -> (0, 0)>
module attributes {stable_mosaic.version = 14 : i64} {
  func.func @_sc_router(%arg0: i32, %arg1: i32, %arg2: memref<8x1024xf32, #tpu.memory_space<hbm>>, %arg3: memref<8x1024xf32, #tpu.memory_space<hbm>>, %arg4: memref<256xf32, #tpu.memory_space<vmem>>, %arg5: memref<256xf32, #tpu.memory_space<vmem>>, %arg6: memref<!tpu.dma_semaphore, #tpu.memory_space<semaphore_mem>>) attributes {dimension_semantics = [#tpu.dimension_semantics<core_parallel>, #tpu.dimension_semantics<subcore_parallel>], iteration_bounds = array<i64: 2, 16>, scalar_prefetch = 0 : i64, scratch_operands = 3 : i64, tpu.core_type = #tpu.core_type<sc_vector_subcore>, window_params = [{transform_indices = #map}, {transform_indices = #map}]} {
    %mul3A = arith.constant 2 : i32
    %mul3A_0 = arith.muli %arg1, %mul3A : i32
    %add3A = arith.addi %mul3A_0, %arg0 : i32
    %mul3A_1 = arith.constant 32 : i32
    %mul3A_2 = arith.muli %add3A, %mul3A_1 : i32
    %dma_start3A = arith.constant 0 : i32
    %dma_start3A_3 = arith.constant 0 : i32
    %dma_start3A_4 = tpu.memref_slice %arg4[%dma_start3A_3] : memref<256xf32, #tpu.memory_space<vmem>> -> memref<32xf32, #tpu.memory_space<vmem>>
    %dma_start3A_5 = tpu.memref_slice %arg2[%dma_start3A, %mul3A_2] : memref<8x1024xf32, #tpu.memory_space<hbm>> -> memref<1x32xf32, #tpu.memory_space<hbm>>
    %dma_start3A_6 = tpu.memref_squeeze %dma_start3A_5 : memref<1x32xf32, #tpu.memory_space<hbm>> -> memref<32xf32, #tpu.memory_space<hbm>>
    %dma_start3A_7 = arith.constant 0 : i32
    %dma_start3A_8 = tpu.memref_slice %arg4[%dma_start3A_7] : memref<256xf32, #tpu.memory_space<vmem>> -> memref<32xf32, #tpu.memory_space<vmem>>
    %dma_start3A_9 = tpu.memref_slice %arg2[%dma_start3A, %mul3A_2] : memref<8x1024xf32, #tpu.memory_space<hbm>> -> memref<1x32xf32, #tpu.memory_space<hbm>>
    %dma_start3A_10 = tpu.memref_squeeze %dma_start3A_9 : memref<1x32xf32, #tpu.memory_space<hbm>> -> memref<32xf32, #tpu.memory_space<hbm>>
    tpu.enqueue_dma source(%dma_start3A_10 : memref<32xf32, #tpu.memory_space<hbm>>) target(%dma_start3A_8 : memref<32xf32, #tpu.memory_space<vmem>>) target_semaphore(%arg6 : memref<!tpu.dma_semaphore, #tpu.memory_space<semaphore_mem>>)
    %dma_start3A_11 = arith.constant 1 : i32
    %dma_start3A_12 = arith.constant 32 : i32
    %dma_start3A_13 = tpu.memref_slice %arg4[%dma_start3A_12] : memref<256xf32, #tpu.memory_space<vmem>> -> memref<32xf32, #tpu.memory_space<vmem>>
    %dma_start3A_14 = tpu.memref_slice %arg2[%dma_start3A_11, %mul3A_2] : memref<8x1024xf32, #tpu.memory_space<hbm>> -> memref<1x32xf32, #tpu.memory_space<hbm>>
    %dma_start3A_15 = tpu.memref_squeeze %dma_start3A_14 : memref<1x32xf32, #tpu.memory_space<hbm>> -> memref<32xf32, #tpu.memory_space<hbm>>
    %dma_start3A_16 = arith.constant 32 : i32
    %dma_start3A_17 = tpu.memref_slice %arg4[%dma_start3A_16] : memref<256xf32, #tpu.memory_space<vmem>> -> memref<32xf32, #tpu.memory_space<vmem>>
    %dma_start3A_18 = tpu.memref_slice %arg2[%dma_start3A_11, %mul3A_2] : memref<8x1024xf32, #tpu.memory_space<hbm>> -> memref<1x32xf32, #tpu.memory_space<hbm>>
    %dma_start3A_19 = tpu.memref_squeeze %dma_start3A_18 : memref<1x32xf32, #tpu.memory_space<hbm>> -> memref<32xf32, #tpu.memory_space<hbm>>
    tpu.enqueue_dma source(%dma_start3A_19 : memref<32xf32, #tpu.memory_space<hbm>>) target(%dma_start3A_17 : memref<32xf32, #tpu.memory_space<vmem>>) target_semaphore(%arg6 : memref<!tpu.dma_semaphore, #tpu.memory_space<semaphore_mem>>)
    %dma_start3A_20 = arith.constant 2 : i32
    %dma_start3A_21 = arith.constant 64 : i32
    %dma_start3A_22 = tpu.memref_slice %arg4[%dma_start3A_21] : memref<256xf32, #tpu.memory_space<vmem>> -> memref<32xf32, #tpu.memory_space<vmem>>
    %dma_start3A_23 = tpu.memref_slice %arg2[%dma_start3A_20, %mul3A_2] : memref<8x1024xf32, #tpu.memory_space<hbm>> -> memref<1x32xf32, #tpu.memory_space<hbm>>
    %dma_start3A_24 = tpu.memref_squeeze %dma_start3A_23 : memref<1x32xf32, #tpu.memory_space<hbm>> -> memref<32xf32, #tpu.memory_space<hbm>>
    %dma_start3A_25 = arith.constant 64 : i32
    %dma_start3A_26 = tpu.memref_slice %arg4[%dma_start3A_25] : memref<256xf32, #tpu.memory_space<vmem>> -> memref<32xf32, #tpu.memory_space<vmem>>
    %dma_start3A_27 = tpu.memref_slice %arg2[%dma_start3A_20, %mul3A_2] : memref<8x1024xf32, #tpu.memory_space<hbm>> -> memref<1x32xf32, #tpu.memory_space<hbm>>
    %dma_start3A_28 = tpu.memref_squeeze %dma_start3A_27 : memref<1x32xf32, #tpu.memory_space<hbm>> -> memref<32xf32, #tpu.memory_space<hbm>>
    tpu.enqueue_dma source(%dma_start3A_28 : memref<32xf32, #tpu.memory_space<hbm>>) target(%dma_start3A_26 : memref<32xf32, #tpu.memory_space<vmem>>) target_semaphore(%arg6 : memref<!tpu.dma_semaphore, #tpu.memory_space<semaphore_mem>>)
    %dma_start3A_29 = arith.constant 3 : i32
    %dma_start3A_30 = arith.constant 96 : i32
    %dma_start3A_31 = tpu.memref_slice %arg4[%dma_start3A_30] : memref<256xf32, #tpu.memory_space<vmem>> -> memref<32xf32, #tpu.memory_space<vmem>>
    %dma_start3A_32 = tpu.memref_slice %arg2[%dma_start3A_29, %mul3A_2] : memref<8x1024xf32, #tpu.memory_space<hbm>> -> memref<1x32xf32, #tpu.memory_space<hbm>>
    %dma_start3A_33 = tpu.memref_squeeze %dma_start3A_32 : memref<1x32xf32, #tpu.memory_space<hbm>> -> memref<32xf32, #tpu.memory_space<hbm>>
    %dma_start3A_34 = arith.constant 96 : i32
    %dma_start3A_35 = tpu.memref_slice %arg4[%dma_start3A_34] : memref<256xf32, #tpu.memory_space<vmem>> -> memref<32xf32, #tpu.memory_space<vmem>>
    %dma_start3A_36 = tpu.memref_slice %arg2[%dma_start3A_29, %mul3A_2] : memref<8x1024xf32, #tpu.memory_space<hbm>> -> memref<1x32xf32, #tpu.memory_space<hbm>>
    %dma_start3A_37 = tpu.memref_squeeze %dma_start3A_36 : memref<1x32xf32, #tpu.memory_space<hbm>> -> memref<32xf32, #tpu.memory_space<hbm>>
    tpu.enqueue_dma source(%dma_start3A_37 : memref<32xf32, #tpu.memory_space<hbm>>) target(%dma_start3A_35 : memref<32xf32, #tpu.memory_space<vmem>>) target_semaphore(%arg6 : memref<!tpu.dma_semaphore, #tpu.memory_space<semaphore_mem>>)
    %dma_start3A_38 = arith.constant 4 : i32
    %dma_start3A_39 = arith.constant 128 : i32
    %dma_start3A_40 = tpu.memref_slice %arg4[%dma_start3A_39] : memref<256xf32, #tpu.memory_space<vmem>> -> memref<32xf32, #tpu.memory_space<vmem>>
    %dma_start3A_41 = tpu.memref_slice %arg2[%dma_start3A_38, %mul3A_2] : memref<8x1024xf32, #tpu.memory_space<hbm>> -> memref<1x32xf32, #tpu.memory_space<hbm>>
    %dma_start3A_42 = tpu.memref_squeeze %dma_start3A_41 : memref<1x32xf32, #tpu.memory_space<hbm>> -> memref<32xf32, #tpu.memory_space<hbm>>
    %dma_start3A_43 = arith.constant 128 : i32
    %dma_start3A_44 = tpu.memref_slice %arg4[%dma_start3A_43] : memref<256xf32, #tpu.memory_space<vmem>> -> memref<32xf32, #tpu.memory_space<vmem>>
    %dma_start3A_45 = tpu.memref_slice %arg2[%dma_start3A_38, %mul3A_2] : memref<8x1024xf32, #tpu.memory_space<hbm>> -> memref<1x32xf32, #tpu.memory_space<hbm>>
    %dma_start3A_46 = tpu.memref_squeeze %dma_start3A_45 : memref<1x32xf32, #tpu.memory_space<hbm>> -> memref<32xf32, #tpu.memory_space<hbm>>
    tpu.enqueue_dma source(%dma_start3A_46 : memref<32xf32, #tpu.memory_space<hbm>>) target(%dma_start3A_44 : memref<32xf32, #tpu.memory_space<vmem>>) target_semaphore(%arg6 : memref<!tpu.dma_semaphore, #tpu.memory_space<semaphore_mem>>)
    %dma_start3A_47 = arith.constant 5 : i32
    %dma_start3A_48 = arith.constant 160 : i32
    %dma_start3A_49 = tpu.memref_slice %arg4[%dma_start3A_48] : memref<256xf32, #tpu.memory_space<vmem>> -> memref<32xf32, #tpu.memory_space<vmem>>
    %dma_start3A_50 = tpu.memref_slice %arg2[%dma_start3A_47, %mul3A_2] : memref<8x1024xf32, #tpu.memory_space<hbm>> -> memref<1x32xf32, #tpu.memory_space<hbm>>
    %dma_start3A_51 = tpu.memref_squeeze %dma_start3A_50 : memref<1x32xf32, #tpu.memory_space<hbm>> -> memref<32xf32, #tpu.memory_space<hbm>>
    %dma_start3A_52 = arith.constant 160 : i32
    %dma_start3A_53 = tpu.memref_slice %arg4[%dma_start3A_52] : memref<256xf32, #tpu.memory_space<vmem>> -> memref<32xf32, #tpu.memory_space<vmem>>
    %dma_start3A_54 = tpu.memref_slice %arg2[%dma_start3A_47, %mul3A_2] : memref<8x1024xf32, #tpu.memory_space<hbm>> -> memref<1x32xf32, #tpu.memory_space<hbm>>
    %dma_start3A_55 = tpu.memref_squeeze %dma_start3A_54 : memref<1x32xf32, #tpu.memory_space<hbm>> -> memref<32xf32, #tpu.memory_space<hbm>>
    tpu.enqueue_dma source(%dma_start3A_55 : memref<32xf32, #tpu.memory_space<hbm>>) target(%dma_start3A_53 : memref<32xf32, #tpu.memory_space<vmem>>) target_semaphore(%arg6 : memref<!tpu.dma_semaphore, #tpu.memory_space<semaphore_mem>>)
    %dma_start3A_56 = arith.constant 6 : i32
    %dma_start3A_57 = arith.constant 192 : i32
    %dma_start3A_58 = tpu.memref_slice %arg4[%dma_start3A_57] : memref<256xf32, #tpu.memory_space<vmem>> -> memref<32xf32, #tpu.memory_space<vmem>>
    %dma_start3A_59 = tpu.memref_slice %arg2[%dma_start3A_56, %mul3A_2] : memref<8x1024xf32, #tpu.memory_space<hbm>> -> memref<1x32xf32, #tpu.memory_space<hbm>>
    %dma_start3A_60 = tpu.memref_squeeze %dma_start3A_59 : memref<1x32xf32, #tpu.memory_space<hbm>> -> memref<32xf32, #tpu.memory_space<hbm>>
    %dma_start3A_61 = arith.constant 192 : i32
    %dma_start3A_62 = tpu.memref_slice %arg4[%dma_start3A_61] : memref<256xf32, #tpu.memory_space<vmem>> -> memref<32xf32, #tpu.memory_space<vmem>>
    %dma_start3A_63 = tpu.memref_slice %arg2[%dma_start3A_56, %mul3A_2] : memref<8x1024xf32, #tpu.memory_space<hbm>> -> memref<1x32xf32, #tpu.memory_space<hbm>>
    %dma_start3A_64 = tpu.memref_squeeze %dma_start3A_63 : memref<1x32xf32, #tpu.memory_space<hbm>> -> memref<32xf32, #tpu.memory_space<hbm>>
    tpu.enqueue_dma source(%dma_start3A_64 : memref<32xf32, #tpu.memory_space<hbm>>) target(%dma_start3A_62 : memref<32xf32, #tpu.memory_space<vmem>>) target_semaphore(%arg6 : memref<!tpu.dma_semaphore, #tpu.memory_space<semaphore_mem>>)
    %dma_start3A_65 = arith.constant 7 : i32
    %dma_start3A_66 = arith.constant 224 : i32
    %dma_start3A_67 = tpu.memref_slice %arg4[%dma_start3A_66] : memref<256xf32, #tpu.memory_space<vmem>> -> memref<32xf32, #tpu.memory_space<vmem>>
    %dma_start3A_68 = tpu.memref_slice %arg2[%dma_start3A_65, %mul3A_2] : memref<8x1024xf32, #tpu.memory_space<hbm>> -> memref<1x32xf32, #tpu.memory_space<hbm>>
    %dma_start3A_69 = tpu.memref_squeeze %dma_start3A_68 : memref<1x32xf32, #tpu.memory_space<hbm>> -> memref<32xf32, #tpu.memory_space<hbm>>
    %dma_start3A_70 = arith.constant 224 : i32
    %dma_start3A_71 = tpu.memref_slice %arg4[%dma_start3A_70] : memref<256xf32, #tpu.memory_space<vmem>> -> memref<32xf32, #tpu.memory_space<vmem>>
    %dma_start3A_72 = tpu.memref_slice %arg2[%dma_start3A_65, %mul3A_2] : memref<8x1024xf32, #tpu.memory_space<hbm>> -> memref<1x32xf32, #tpu.memory_space<hbm>>
    %dma_start3A_73 = tpu.memref_squeeze %dma_start3A_72 : memref<1x32xf32, #tpu.memory_space<hbm>> -> memref<32xf32, #tpu.memory_space<hbm>>
    tpu.enqueue_dma source(%dma_start3A_73 : memref<32xf32, #tpu.memory_space<hbm>>) target(%dma_start3A_71 : memref<32xf32, #tpu.memory_space<vmem>>) target_semaphore(%arg6 : memref<!tpu.dma_semaphore, #tpu.memory_space<semaphore_mem>>)
    %dma_wait3A = arith.constant 0 : i32
    %dma_wait3A_74 = arith.constant 0 : i32
    %dma_wait3A_75 = tpu.memref_slice %arg4[%dma_wait3A_74] : memref<256xf32, #tpu.memory_space<vmem>> -> memref<32xf32, #tpu.memory_space<vmem>>
    %dma_wait3A_76 = tpu.memref_slice %arg2[%dma_wait3A, %mul3A_2] : memref<8x1024xf32, #tpu.memory_space<hbm>> -> memref<1x32xf32, #tpu.memory_space<hbm>>
    %dma_wait3A_77 = tpu.memref_squeeze %dma_wait3A_76 : memref<1x32xf32, #tpu.memory_space<hbm>> -> memref<32xf32, #tpu.memory_space<hbm>>
    %dma_wait3A_78 = arith.constant 0 : i32
    %dma_wait3A_79 = tpu.memref_slice %arg4[%dma_wait3A_78] : memref<256xf32, #tpu.memory_space<vmem>> -> memref<32xf32, #tpu.memory_space<vmem>>
    %dma_wait3A_80 = tpu.memref_slice %arg2[%dma_wait3A, %mul3A_2] : memref<8x1024xf32, #tpu.memory_space<hbm>> -> memref<1x32xf32, #tpu.memory_space<hbm>>
    %dma_wait3A_81 = tpu.memref_squeeze %dma_wait3A_80 : memref<1x32xf32, #tpu.memory_space<hbm>> -> memref<32xf32, #tpu.memory_space<hbm>>
    tpu.wait_dma2 semaphore(%arg6 : memref<!tpu.dma_semaphore, #tpu.memory_space<semaphore_mem>>) src(%dma_wait3A_81 : memref<32xf32, #tpu.memory_space<hbm>>) dst(%dma_wait3A_79 : memref<32xf32, #tpu.memory_space<vmem>>)
    %dma_wait3A_82 = arith.constant 1 : i32
    %dma_wait3A_83 = arith.constant 32 : i32
    %dma_wait3A_84 = tpu.memref_slice %arg4[%dma_wait3A_83] : memref<256xf32, #tpu.memory_space<vmem>> -> memref<32xf32, #tpu.memory_space<vmem>>
    %dma_wait3A_85 = tpu.memref_slice %arg2[%dma_wait3A_82, %mul3A_2] : memref<8x1024xf32, #tpu.memory_space<hbm>> -> memref<1x32xf32, #tpu.memory_space<hbm>>
    %dma_wait3A_86 = tpu.memref_squeeze %dma_wait3A_85 : memref<1x32xf32, #tpu.memory_space<hbm>> -> memref<32xf32, #tpu.memory_space<hbm>>
    %dma_wait3A_87 = arith.constant 32 : i32
    %dma_wait3A_88 = tpu.memref_slice %arg4[%dma_wait3A_87] : memref<256xf32, #tpu.memory_space<vmem>> -> memref<32xf32, #tpu.memory_space<vmem>>
    %dma_wait3A_89 = tpu.memref_slice %arg2[%dma_wait3A_82, %mul3A_2] : memref<8x1024xf32, #tpu.memory_space<hbm>> -> memref<1x32xf32, #tpu.memory_space<hbm>>
    %dma_wait3A_90 = tpu.memref_squeeze %dma_wait3A_89 : memref<1x32xf32, #tpu.memory_space<hbm>> -> memref<32xf32, #tpu.memory_space<hbm>>
    tpu.wait_dma2 semaphore(%arg6 : memref<!tpu.dma_semaphore, #tpu.memory_space<semaphore_mem>>) src(%dma_wait3A_90 : memref<32xf32, #tpu.memory_space<hbm>>) dst(%dma_wait3A_88 : memref<32xf32, #tpu.memory_space<vmem>>)
    %dma_wait3A_91 = arith.constant 2 : i32
    %dma_wait3A_92 = arith.constant 64 : i32
    %dma_wait3A_93 = tpu.memref_slice %arg4[%dma_wait3A_92] : memref<256xf32, #tpu.memory_space<vmem>> -> memref<32xf32, #tpu.memory_space<vmem>>
    %dma_wait3A_94 = tpu.memref_slice %arg2[%dma_wait3A_91, %mul3A_2] : memref<8x1024xf32, #tpu.memory_space<hbm>> -> memref<1x32xf32, #tpu.memory_space<hbm>>
    %dma_wait3A_95 = tpu.memref_squeeze %dma_wait3A_94 : memref<1x32xf32, #tpu.memory_space<hbm>> -> memref<32xf32, #tpu.memory_space<hbm>>
    %dma_wait3A_96 = arith.constant 64 : i32
    %dma_wait3A_97 = tpu.memref_slice %arg4[%dma_wait3A_96] : memref<256xf32, #tpu.memory_space<vmem>> -> memref<32xf32, #tpu.memory_space<vmem>>
    %dma_wait3A_98 = tpu.memref_slice %arg2[%dma_wait3A_91, %mul3A_2] : memref<8x1024xf32, #tpu.memory_space<hbm>> -> memref<1x32xf32, #tpu.memory_space<hbm>>
    %dma_wait3A_99 = tpu.memref_squeeze %dma_wait3A_98 : memref<1x32xf32, #tpu.memory_space<hbm>> -> memref<32xf32, #tpu.memory_space<hbm>>
    tpu.wait_dma2 semaphore(%arg6 : memref<!tpu.dma_semaphore, #tpu.memory_space<semaphore_mem>>) src(%dma_wait3A_99 : memref<32xf32, #tpu.memory_space<hbm>>) dst(%dma_wait3A_97 : memref<32xf32, #tpu.memory_space<vmem>>)
    %dma_wait3A_100 = arith.constant 3 : i32
    %dma_wait3A_101 = arith.constant 96 : i32
    %dma_wait3A_102 = tpu.memref_slice %arg4[%dma_wait3A_101] : memref<256xf32, #tpu.memory_space<vmem>> -> memref<32xf32, #tpu.memory_space<vmem>>
    %dma_wait3A_103 = tpu.memref_slice %arg2[%dma_wait3A_100, %mul3A_2] : memref<8x1024xf32, #tpu.memory_space<hbm>> -> memref<1x32xf32, #tpu.memory_space<hbm>>
    %dma_wait3A_104 = tpu.memref_squeeze %dma_wait3A_103 : memref<1x32xf32, #tpu.memory_space<hbm>> -> memref<32xf32, #tpu.memory_space<hbm>>
    %dma_wait3A_105 = arith.constant 96 : i32
    %dma_wait3A_106 = tpu.memref_slice %arg4[%dma_wait3A_105] : memref<256xf32, #tpu.memory_space<vmem>> -> memref<32xf32, #tpu.memory_space<vmem>>
    %dma_wait3A_107 = tpu.memref_slice %arg2[%dma_wait3A_100, %mul3A_2] : memref<8x1024xf32, #tpu.memory_space<hbm>> -> memref<1x32xf32, #tpu.memory_space<hbm>>
    %dma_wait3A_108 = tpu.memref_squeeze %dma_wait3A_107 : memref<1x32xf32, #tpu.memory_space<hbm>> -> memref<32xf32, #tpu.memory_space<hbm>>
    tpu.wait_dma2 semaphore(%arg6 : memref<!tpu.dma_semaphore, #tpu.memory_space<semaphore_mem>>) src(%dma_wait3A_108 : memref<32xf32, #tpu.memory_space<hbm>>) dst(%dma_wait3A_106 : memref<32xf32, #tpu.memory_space<vmem>>)
    %dma_wait3A_109 = arith.constant 4 : i32
    %dma_wait3A_110 = arith.constant 128 : i32
    %dma_wait3A_111 = tpu.memref_slice %arg4[%dma_wait3A_110] : memref<256xf32, #tpu.memory_space<vmem>> -> memref<32xf32, #tpu.memory_space<vmem>>
    %dma_wait3A_112 = tpu.memref_slice %arg2[%dma_wait3A_109, %mul3A_2] : memref<8x1024xf32, #tpu.memory_space<hbm>> -> memref<1x32xf32, #tpu.memory_space<hbm>>
    %dma_wait3A_113 = tpu.memref_squeeze %dma_wait3A_112 : memref<1x32xf32, #tpu.memory_space<hbm>> -> memref<32xf32, #tpu.memory_space<hbm>>
    %dma_wait3A_114 = arith.constant 128 : i32
    %dma_wait3A_115 = tpu.memref_slice %arg4[%dma_wait3A_114] : memref<256xf32, #tpu.memory_space<vmem>> -> memref<32xf32, #tpu.memory_space<vmem>>
    %dma_wait3A_116 = tpu.memref_slice %arg2[%dma_wait3A_109, %mul3A_2] : memref<8x1024xf32, #tpu.memory_space<hbm>> -> memref<1x32xf32, #tpu.memory_space<hbm>>
    %dma_wait3A_117 = tpu.memref_squeeze %dma_wait3A_116 : memref<1x32xf32, #tpu.memory_space<hbm>> -> memref<32xf32, #tpu.memory_space<hbm>>
    tpu.wait_dma2 semaphore(%arg6 : memref<!tpu.dma_semaphore, #tpu.memory_space<semaphore_mem>>) src(%dma_wait3A_117 : memref<32xf32, #tpu.memory_space<hbm>>) dst(%dma_wait3A_115 : memref<32xf32, #tpu.memory_space<vmem>>)
    %dma_wait3A_118 = arith.constant 5 : i32
    %dma_wait3A_119 = arith.constant 160 : i32
    %dma_wait3A_120 = tpu.memref_slice %arg4[%dma_wait3A_119] : memref<256xf32, #tpu.memory_space<vmem>> -> memref<32xf32, #tpu.memory_space<vmem>>
    %dma_wait3A_121 = tpu.memref_slice %arg2[%dma_wait3A_118, %mul3A_2] : memref<8x1024xf32, #tpu.memory_space<hbm>> -> memref<1x32xf32, #tpu.memory_space<hbm>>
    %dma_wait3A_122 = tpu.memref_squeeze %dma_wait3A_121 : memref<1x32xf32, #tpu.memory_space<hbm>> -> memref<32xf32, #tpu.memory_space<hbm>>
    %dma_wait3A_123 = arith.constant 160 : i32
    %dma_wait3A_124 = tpu.memref_slice %arg4[%dma_wait3A_123] : memref<256xf32, #tpu.memory_space<vmem>> -> memref<32xf32, #tpu.memory_space<vmem>>
    %dma_wait3A_125 = tpu.memref_slice %arg2[%dma_wait3A_118, %mul3A_2] : memref<8x1024xf32, #tpu.memory_space<hbm>> -> memref<1x32xf32, #tpu.memory_space<hbm>>
    %dma_wait3A_126 = tpu.memref_squeeze %dma_wait3A_125 : memref<1x32xf32, #tpu.memory_space<hbm>> -> memref<32xf32, #tpu.memory_space<hbm>>
    tpu.wait_dma2 semaphore(%arg6 : memref<!tpu.dma_semaphore, #tpu.memory_space<semaphore_mem>>) src(%dma_wait3A_126 : memref<32xf32, #tpu.memory_space<hbm>>) dst(%dma_wait3A_124 : memref<32xf32, #tpu.memory_space<vmem>>)
    %dma_wait3A_127 = arith.constant 6 : i32
    %dma_wait3A_128 = arith.constant 192 : i32
    %dma_wait3A_129 = tpu.memref_slice %arg4[%dma_wait3A_128] : memref<256xf32, #tpu.memory_space<vmem>> -> memref<32xf32, #tpu.memory_space<vmem>>
    %dma_wait3A_130 = tpu.memref_slice %arg2[%dma_wait3A_127, %mul3A_2] : memref<8x1024xf32, #tpu.memory_space<hbm>> -> memref<1x32xf32, #tpu.memory_space<hbm>>
    %dma_wait3A_131 = tpu.memref_squeeze %dma_wait3A_130 : memref<1x32xf32, #tpu.memory_space<hbm>> -> memref<32xf32, #tpu.memory_space<hbm>>
    %dma_wait3A_132 = arith.constant 192 : i32
    %dma_wait3A_133 = tpu.memref_slice %arg4[%dma_wait3A_132] : memref<256xf32, #tpu.memory_space<vmem>> -> memref<32xf32, #tpu.memory_space<vmem>>
    %dma_wait3A_134 = tpu.memref_slice %arg2[%dma_wait3A_127, %mul3A_2] : memref<8x1024xf32, #tpu.memory_space<hbm>> -> memref<1x32xf32, #tpu.memory_space<hbm>>
    %dma_wait3A_135 = tpu.memref_squeeze %dma_wait3A_134 : memref<1x32xf32, #tpu.memory_space<hbm>> -> memref<32xf32, #tpu.memory_space<hbm>>
    tpu.wait_dma2 semaphore(%arg6 : memref<!tpu.dma_semaphore, #tpu.memory_space<semaphore_mem>>) src(%dma_wait3A_135 : memref<32xf32, #tpu.memory_space<hbm>>) dst(%dma_wait3A_133 : memref<32xf32, #tpu.memory_space<vmem>>)
    %dma_wait3A_136 = arith.constant 7 : i32
    %dma_wait3A_137 = arith.constant 224 : i32
    %dma_wait3A_138 = tpu.memref_slice %arg4[%dma_wait3A_137] : memref<256xf32, #tpu.memory_space<vmem>> -> memref<32xf32, #tpu.memory_space<vmem>>
    %dma_wait3A_139 = tpu.memref_slice %arg2[%dma_wait3A_136, %mul3A_2] : memref<8x1024xf32, #tpu.memory_space<hbm>> -> memref<1x32xf32, #tpu.memory_space<hbm>>
    %dma_wait3A_140 = tpu.memref_squeeze %dma_wait3A_139 : memref<1x32xf32, #tpu.memory_space<hbm>> -> memref<32xf32, #tpu.memory_space<hbm>>
    %dma_wait3A_141 = arith.constant 224 : i32
    %dma_wait3A_142 = tpu.memref_slice %arg4[%dma_wait3A_141] : memref<256xf32, #tpu.memory_space<vmem>> -> memref<32xf32, #tpu.memory_space<vmem>>
    %dma_wait3A_143 = tpu.memref_slice %arg2[%dma_wait3A_136, %mul3A_2] : memref<8x1024xf32, #tpu.memory_space<hbm>> -> memref<1x32xf32, #tpu.memory_space<hbm>>
    %dma_wait3A_144 = tpu.memref_squeeze %dma_wait3A_143 : memref<1x32xf32, #tpu.memory_space<hbm>> -> memref<32xf32, #tpu.memory_space<hbm>>
    tpu.wait_dma2 semaphore(%arg6 : memref<!tpu.dma_semaphore, #tpu.memory_space<semaphore_mem>>) src(%dma_wait3A_144 : memref<32xf32, #tpu.memory_space<hbm>>) dst(%dma_wait3A_142 : memref<32xf32, #tpu.memory_space<vmem>>)
    %broadcast_in_dim3A = arith.constant -1.000000e+30 : f32
    %broadcast_in_dim3A_145 = vector.broadcast %broadcast_in_dim3A : f32 to vector<16xf32>
    %broadcast_in_dim3A_146 = arith.constant 0 : i32
    %broadcast_in_dim3A_147 = vector.broadcast %broadcast_in_dim3A_146 : i32 to vector<16xi32>
    %broadcast_in_dim3A_148 = arith.constant 0 : i32
    %broadcast_in_dim3A_149 = vector.broadcast %broadcast_in_dim3A_148 : i32 to vector<16xi32>
    %get3A = arith.constant 0 : index
    %get3A_150 = tpu.vector_load %arg4[%get3A] {strides = array<i32>} : memref<256xf32, #tpu.memory_space<vmem>>, vector<16xf32>,
    %get3A_151 = vector.shape_cast %get3A_150 : vector<16xf32> to vector<16xf32>
    %gt3A = arith.cmpf ogt, %get3A_151, %broadcast_in_dim3A_145 : vector<16xf32>
    %gt3A_152 = arith.cmpf ogt, %get3A_151, %broadcast_in_dim3A_145 : vector<16xf32>
    %select_n3A = arith.select %gt3A_152, %get3A_151, %broadcast_in_dim3A_145 : vector<16xi1>, vector<16xf32>
    %select_n3A_153 = arith.select %gt3A, %broadcast_in_dim3A_145, %select_n3A : vector<16xi1>, vector<16xf32>
    %jit3A = arith.constant 0 : i32
    %broadcast_in_dim3A_154 = vector.broadcast %jit3A : i32 to vector<16xi32>
    %select_n3A_155 = arith.select %gt3A_152, %broadcast_in_dim3A_154, %broadcast_in_dim3A_149 : vector<16xi1>, vector<16xi32>
    %select_n3A_156 = arith.select %gt3A, %broadcast_in_dim3A_147, %select_n3A_155 : vector<16xi1>, vector<16xi32>
    %select_n3A_157 = arith.select %gt3A, %get3A_151, %broadcast_in_dim3A_145 : vector<16xi1>, vector<16xf32>
    %jit3A_158 = arith.constant 0 : i32
    %broadcast_in_dim3A_159 = vector.broadcast %jit3A_158 : i32 to vector<16xi32>
    %select_n3A_160 = arith.select %gt3A, %broadcast_in_dim3A_159, %broadcast_in_dim3A_147 : vector<16xi1>, vector<16xi32>
    %get3A_161 = arith.constant 32 : index
    %get3A_162 = tpu.vector_load %arg4[%get3A_161] {strides = array<i32>} : memref<256xf32, #tpu.memory_space<vmem>>, vector<16xf32>,
    %get3A_163 = vector.shape_cast %get3A_162 : vector<16xf32> to vector<16xf32>
    %gt3A_164 = arith.cmpf ogt, %get3A_163, %select_n3A_157 : vector<16xf32>
    %gt3A_165 = arith.cmpf ogt, %get3A_163, %select_n3A_153 : vector<16xf32>
    %select_n3A_166 = arith.select %gt3A_165, %get3A_163, %select_n3A_153 : vector<16xi1>, vector<16xf32>
    %select_n3A_167 = arith.select %gt3A_164, %select_n3A_157, %select_n3A_166 : vector<16xi1>, vector<16xf32>
    %jit3A_168 = arith.constant 1 : i32
    %broadcast_in_dim3A_169 = vector.broadcast %jit3A_168 : i32 to vector<16xi32>
    %select_n3A_170 = arith.select %gt3A_165, %broadcast_in_dim3A_169, %select_n3A_156 : vector<16xi1>, vector<16xi32>
    %select_n3A_171 = arith.select %gt3A_164, %select_n3A_160, %select_n3A_170 : vector<16xi1>, vector<16xi32>
    %select_n3A_172 = arith.select %gt3A_164, %get3A_163, %select_n3A_157 : vector<16xi1>, vector<16xf32>
    %jit3A_173 = arith.constant 1 : i32
    %broadcast_in_dim3A_174 = vector.broadcast %jit3A_173 : i32 to vector<16xi32>
    %select_n3A_175 = arith.select %gt3A_164, %broadcast_in_dim3A_174, %select_n3A_160 : vector<16xi1>, vector<16xi32>
    %get3A_176 = arith.constant 64 : index
    %get3A_177 = tpu.vector_load %arg4[%get3A_176] {strides = array<i32>} : memref<256xf32, #tpu.memory_space<vmem>>, vector<16xf32>,
    %get3A_178 = vector.shape_cast %get3A_177 : vector<16xf32> to vector<16xf32>
    %gt3A_179 = arith.cmpf ogt, %get3A_178, %select_n3A_172 : vector<16xf32>
    %gt3A_180 = arith.cmpf ogt, %get3A_178, %select_n3A_167 : vector<16xf32>
    %select_n3A_181 = arith.select %gt3A_180, %get3A_178, %select_n3A_167 : vector<16xi1>, vector<16xf32>
    %select_n3A_182 = arith.select %gt3A_179, %select_n3A_172, %select_n3A_181 : vector<16xi1>, vector<16xf32>
    %jit3A_183 = arith.constant 2 : i32
    %broadcast_in_dim3A_184 = vector.broadcast %jit3A_183 : i32 to vector<16xi32>
    %select_n3A_185 = arith.select %gt3A_180, %broadcast_in_dim3A_184, %select_n3A_171 : vector<16xi1>, vector<16xi32>
    %select_n3A_186 = arith.select %gt3A_179, %select_n3A_175, %select_n3A_185 : vector<16xi1>, vector<16xi32>
    %select_n3A_187 = arith.select %gt3A_179, %get3A_178, %select_n3A_172 : vector<16xi1>, vector<16xf32>
    %jit3A_188 = arith.constant 2 : i32
    %broadcast_in_dim3A_189 = vector.broadcast %jit3A_188 : i32 to vector<16xi32>
    %select_n3A_190 = arith.select %gt3A_179, %broadcast_in_dim3A_189, %select_n3A_175 : vector<16xi1>, vector<16xi32>
    %get3A_191 = arith.constant 96 : index
    %get3A_192 = tpu.vector_load %arg4[%get3A_191] {strides = array<i32>} : memref<256xf32, #tpu.memory_space<vmem>>, vector<16xf32>,
    %get3A_193 = vector.shape_cast %get3A_192 : vector<16xf32> to vector<16xf32>
    %gt3A_194 = arith.cmpf ogt, %get3A_193, %select_n3A_187 : vector<16xf32>
    %gt3A_195 = arith.cmpf ogt, %get3A_193, %select_n3A_182 : vector<16xf32>
    %select_n3A_196 = arith.select %gt3A_195, %get3A_193, %select_n3A_182 : vector<16xi1>, vector<16xf32>
    %select_n3A_197 = arith.select %gt3A_194, %select_n3A_187, %select_n3A_196 : vector<16xi1>, vector<16xf32>
    %jit3A_198 = arith.constant 3 : i32
    %broadcast_in_dim3A_199 = vector.broadcast %jit3A_198 : i32 to vector<16xi32>
    %select_n3A_200 = arith.select %gt3A_195, %broadcast_in_dim3A_199, %select_n3A_186 : vector<16xi1>, vector<16xi32>
    %select_n3A_201 = arith.select %gt3A_194, %select_n3A_190, %select_n3A_200 : vector<16xi1>, vector<16xi32>
    %select_n3A_202 = arith.select %gt3A_194, %get3A_193, %select_n3A_187 : vector<16xi1>, vector<16xf32>
    %jit3A_203 = arith.constant 3 : i32
    %broadcast_in_dim3A_204 = vector.broadcast %jit3A_203 : i32 to vector<16xi32>
    %select_n3A_205 = arith.select %gt3A_194, %broadcast_in_dim3A_204, %select_n3A_190 : vector<16xi1>, vector<16xi32>
    %get3A_206 = arith.constant 128 : index
    %get3A_207 = tpu.vector_load %arg4[%get3A_206] {strides = array<i32>} : memref<256xf32, #tpu.memory_space<vmem>>, vector<16xf32>,
    %get3A_208 = vector.shape_cast %get3A_207 : vector<16xf32> to vector<16xf32>
    %gt3A_209 = arith.cmpf ogt, %get3A_208, %select_n3A_202 : vector<16xf32>
    %gt3A_210 = arith.cmpf ogt, %get3A_208, %select_n3A_197 : vector<16xf32>
    %select_n3A_211 = arith.select %gt3A_210, %get3A_208, %select_n3A_197 : vector<16xi1>, vector<16xf32>
    %select_n3A_212 = arith.select %gt3A_209, %select_n3A_202, %select_n3A_211 : vector<16xi1>, vector<16xf32>
    %jit3A_213 = arith.constant 4 : i32
    %broadcast_in_dim3A_214 = vector.broadcast %jit3A_213 : i32 to vector<16xi32>
    %select_n3A_215 = arith.select %gt3A_210, %broadcast_in_dim3A_214, %select_n3A_201 : vector<16xi1>, vector<16xi32>
    %select_n3A_216 = arith.select %gt3A_209, %select_n3A_205, %select_n3A_215 : vector<16xi1>, vector<16xi32>
    %select_n3A_217 = arith.select %gt3A_209, %get3A_208, %select_n3A_202 : vector<16xi1>, vector<16xf32>
    %jit3A_218 = arith.constant 4 : i32
    %broadcast_in_dim3A_219 = vector.broadcast %jit3A_218 : i32 to vector<16xi32>
    %select_n3A_220 = arith.select %gt3A_209, %broadcast_in_dim3A_219, %select_n3A_205 : vector<16xi1>, vector<16xi32>
    %get3A_221 = arith.constant 160 : index
    %get3A_222 = tpu.vector_load %arg4[%get3A_221] {strides = array<i32>} : memref<256xf32, #tpu.memory_space<vmem>>, vector<16xf32>,
    %get3A_223 = vector.shape_cast %get3A_222 : vector<16xf32> to vector<16xf32>
    %gt3A_224 = arith.cmpf ogt, %get3A_223, %select_n3A_217 : vector<16xf32>
    %gt3A_225 = arith.cmpf ogt, %get3A_223, %select_n3A_212 : vector<16xf32>
    %select_n3A_226 = arith.select %gt3A_225, %get3A_223, %select_n3A_212 : vector<16xi1>, vector<16xf32>
    %select_n3A_227 = arith.select %gt3A_224, %select_n3A_217, %select_n3A_226 : vector<16xi1>, vector<16xf32>
    %jit3A_228 = arith.constant 5 : i32
    %broadcast_in_dim3A_229 = vector.broadcast %jit3A_228 : i32 to vector<16xi32>
    %select_n3A_230 = arith.select %gt3A_225, %broadcast_in_dim3A_229, %select_n3A_216 : vector<16xi1>, vector<16xi32>
    %select_n3A_231 = arith.select %gt3A_224, %select_n3A_220, %select_n3A_230 : vector<16xi1>, vector<16xi32>
    %select_n3A_232 = arith.select %gt3A_224, %get3A_223, %select_n3A_217 : vector<16xi1>, vector<16xf32>
    %jit3A_233 = arith.constant 5 : i32
    %broadcast_in_dim3A_234 = vector.broadcast %jit3A_233 : i32 to vector<16xi32>
    %select_n3A_235 = arith.select %gt3A_224, %broadcast_in_dim3A_234, %select_n3A_220 : vector<16xi1>, vector<16xi32>
    %get3A_236 = arith.constant 192 : index
    %get3A_237 = tpu.vector_load %arg4[%get3A_236] {strides = array<i32>} : memref<256xf32, #tpu.memory_space<vmem>>, vector<16xf32>,
    %get3A_238 = vector.shape_cast %get3A_237 : vector<16xf32> to vector<16xf32>
    %gt3A_239 = arith.cmpf ogt, %get3A_238, %select_n3A_232 : vector<16xf32>
    %gt3A_240 = arith.cmpf ogt, %get3A_238, %select_n3A_227 : vector<16xf32>
    %select_n3A_241 = arith.select %gt3A_240, %get3A_238, %select_n3A_227 : vector<16xi1>, vector<16xf32>
    %select_n3A_242 = arith.select %gt3A_239, %select_n3A_232, %select_n3A_241 : vector<16xi1>, vector<16xf32>
    %jit3A_243 = arith.constant 6 : i32
    %broadcast_in_dim3A_244 = vector.broadcast %jit3A_243 : i32 to vector<16xi32>
    %select_n3A_245 = arith.select %gt3A_240, %broadcast_in_dim3A_244, %select_n3A_231 : vector<16xi1>, vector<16xi32>
    %select_n3A_246 = arith.select %gt3A_239, %select_n3A_235, %select_n3A_245 : vector<16xi1>, vector<16xi32>
    %select_n3A_247 = arith.select %gt3A_239, %get3A_238, %select_n3A_232 : vector<16xi1>, vector<16xf32>
    %jit3A_248 = arith.constant 6 : i32
    %broadcast_in_dim3A_249 = vector.broadcast %jit3A_248 : i32 to vector<16xi32>
    %select_n3A_250 = arith.select %gt3A_239, %broadcast_in_dim3A_249, %select_n3A_235 : vector<16xi1>, vector<16xi32>
    %get3A_251 = arith.constant 224 : index
    %get3A_252 = tpu.vector_load %arg4[%get3A_251] {strides = array<i32>} : memref<256xf32, #tpu.memory_space<vmem>>, vector<16xf32>,
    %get3A_253 = vector.shape_cast %get3A_252 : vector<16xf32> to vector<16xf32>
    %gt3A_254 = arith.cmpf ogt, %get3A_253, %select_n3A_247 : vector<16xf32>
    %gt3A_255 = arith.cmpf ogt, %get3A_253, %select_n3A_242 : vector<16xf32>
    %select_n3A_256 = arith.select %gt3A_255, %get3A_253, %select_n3A_242 : vector<16xi1>, vector<16xf32>
    %select_n3A_257 = arith.select %gt3A_254, %select_n3A_247, %select_n3A_256 : vector<16xi1>, vector<16xf32>
    %jit3A_258 = arith.constant 7 : i32
    %broadcast_in_dim3A_259 = vector.broadcast %jit3A_258 : i32 to vector<16xi32>
    %select_n3A_260 = arith.select %gt3A_255, %broadcast_in_dim3A_259, %select_n3A_246 : vector<16xi1>, vector<16xi32>
    %select_n3A_261 = arith.select %gt3A_254, %select_n3A_250, %select_n3A_260 : vector<16xi1>, vector<16xi32>
    %select_n3A_262 = arith.select %gt3A_254, %get3A_253, %select_n3A_247 : vector<16xi1>, vector<16xf32>
    %jit3A_263 = arith.constant 7 : i32
    %broadcast_in_dim3A_264 = vector.broadcast %jit3A_263 : i32 to vector<16xi32>
    %select_n3A_265 = arith.select %gt3A_254, %broadcast_in_dim3A_264, %select_n3A_250 : vector<16xi1>, vector<16xi32>
    %sub3A = arith.subf %select_n3A_257, %select_n3A_262 : vector<16xf32>
    %exp3A = math.exp %sub3A : vector<16xf32>
    %add3A_266 = arith.constant 1.000000e+00 : f32
    %add3A_267 = vector.broadcast %add3A_266 : f32 to vector<16xf32>
    %add3A_268 = arith.addf %add3A_267, %exp3A : vector<16xf32>
    %div3A = arith.constant 1.000000e+00 : f32
    %div3A_269 = vector.broadcast %div3A : f32 to vector<16xf32>
    %div3A_270 = arith.divf %div3A_269, %add3A_268 : vector<16xf32>
    %sub3A_271 = arith.constant 1.000000e+00 : f32
    %sub3A_272 = vector.broadcast %sub3A_271 : f32 to vector<16xf32>
    %sub3A_273 = arith.subf %sub3A_272, %div3A_270 : vector<16xf32>
    %broadcast_in_dim3A_274 = arith.constant 0.000000e+00 : f32
    %broadcast_in_dim3A_275 = vector.broadcast %broadcast_in_dim3A_274 : f32 to vector<16xf32>
    %eq3A = arith.constant 0 : i32
    %eq3A_276 = vector.broadcast %eq3A : i32 to vector<16xi32>
    %eq3A_277 = arith.cmpi eq, %select_n3A_265, %eq3A_276 : vector<16xi32>
    %eq3A_278 = arith.constant 0 : i32
    %eq3A_279 = vector.broadcast %eq3A_278 : i32 to vector<16xi32>
    %eq3A_280 = arith.cmpi eq, %select_n3A_261, %eq3A_279 : vector<16xi32>
    %select_n3A_281 = arith.select %eq3A_280, %sub3A_273, %broadcast_in_dim3A_275 : vector<16xi1>, vector<16xf32>
    %select_n3A_282 = arith.select %eq3A_277, %div3A_270, %select_n3A_281 : vector<16xi1>, vector<16xf32>
    %swap3A = arith.constant 0 : index
    %swap3A_283 = tpu.vector_load %arg5[%swap3A] {strides = array<i32>} : memref<256xf32, #tpu.memory_space<vmem>>, vector<16xf32>,
    %swap3A_284 = vector.shape_cast %swap3A_283 : vector<16xf32> to vector<16xf32>
    %swap3A_285 = vector.shape_cast %select_n3A_282 : vector<16xf32> to vector<16xf32>
    tpu.vector_store %arg5[%swap3A], %swap3A_285 {strides = array<i32>} : memref<256xf32, #tpu.memory_space<vmem>>, vector<16xf32>,
    %eq3A_286 = arith.constant 1 : i32
    %eq3A_287 = vector.broadcast %eq3A_286 : i32 to vector<16xi32>
    %eq3A_288 = arith.cmpi eq, %select_n3A_265, %eq3A_287 : vector<16xi32>
    %eq3A_289 = arith.constant 1 : i32
    %eq3A_290 = vector.broadcast %eq3A_289 : i32 to vector<16xi32>
    %eq3A_291 = arith.cmpi eq, %select_n3A_261, %eq3A_290 : vector<16xi32>
    %select_n3A_292 = arith.select %eq3A_291, %sub3A_273, %broadcast_in_dim3A_275 : vector<16xi1>, vector<16xf32>
    %select_n3A_293 = arith.select %eq3A_288, %div3A_270, %select_n3A_292 : vector<16xi1>, vector<16xf32>
    %swap3A_294 = arith.constant 32 : index
    %swap3A_295 = tpu.vector_load %arg5[%swap3A_294] {strides = array<i32>} : memref<256xf32, #tpu.memory_space<vmem>>, vector<16xf32>,
    %swap3A_296 = vector.shape_cast %swap3A_295 : vector<16xf32> to vector<16xf32>
    %swap3A_297 = vector.shape_cast %select_n3A_293 : vector<16xf32> to vector<16xf32>
    tpu.vector_store %arg5[%swap3A_294], %swap3A_297 {strides = array<i32>} : memref<256xf32, #tpu.memory_space<vmem>>, vector<16xf32>,
    %eq3A_298 = arith.constant 2 : i32
    %eq3A_299 = vector.broadcast %eq3A_298 : i32 to vector<16xi32>
    %eq3A_300 = arith.cmpi eq, %select_n3A_265, %eq3A_299 : vector<16xi32>
    %eq3A_301 = arith.constant 2 : i32
    %eq3A_302 = vector.broadcast %eq3A_301 : i32 to vector<16xi32>
    %eq3A_303 = arith.cmpi eq, %select_n3A_261, %eq3A_302 : vector<16xi32>
    %select_n3A_304 = arith.select %eq3A_303, %sub3A_273, %broadcast_in_dim3A_275 : vector<16xi1>, vector<16xf32>
    %select_n3A_305 = arith.select %eq3A_300, %div3A_270, %select_n3A_304 : vector<16xi1>, vector<16xf32>
    %swap3A_306 = arith.constant 64 : index
    %swap3A_307 = tpu.vector_load %arg5[%swap3A_306] {strides = array<i32>} : memref<256xf32, #tpu.memory_space<vmem>>, vector<16xf32>,
    %swap3A_308 = vector.shape_cast %swap3A_307 : vector<16xf32> to vector<16xf32>
    %swap3A_309 = vector.shape_cast %select_n3A_305 : vector<16xf32> to vector<16xf32>
    tpu.vector_store %arg5[%swap3A_306], %swap3A_309 {strides = array<i32>} : memref<256xf32, #tpu.memory_space<vmem>>, vector<16xf32>,
    %eq3A_310 = arith.constant 3 : i32
    %eq3A_311 = vector.broadcast %eq3A_310 : i32 to vector<16xi32>
    %eq3A_312 = arith.cmpi eq, %select_n3A_265, %eq3A_311 : vector<16xi32>
    %eq3A_313 = arith.constant 3 : i32
    %eq3A_314 = vector.broadcast %eq3A_313 : i32 to vector<16xi32>
    %eq3A_315 = arith.cmpi eq, %select_n3A_261, %eq3A_314 : vector<16xi32>
    %select_n3A_316 = arith.select %eq3A_315, %sub3A_273, %broadcast_in_dim3A_275 : vector<16xi1>, vector<16xf32>
    %select_n3A_317 = arith.select %eq3A_312, %div3A_270, %select_n3A_316 : vector<16xi1>, vector<16xf32>
    %swap3A_318 = arith.constant 96 : index
    %swap3A_319 = tpu.vector_load %arg5[%swap3A_318] {strides = array<i32>} : memref<256xf32, #tpu.memory_space<vmem>>, vector<16xf32>,
    %swap3A_320 = vector.shape_cast %swap3A_319 : vector<16xf32> to vector<16xf32>
    %swap3A_321 = vector.shape_cast %select_n3A_317 : vector<16xf32> to vector<16xf32>
    tpu.vector_store %arg5[%swap3A_318], %swap3A_321 {strides = array<i32>} : memref<256xf32, #tpu.memory_space<vmem>>, vector<16xf32>,
    %eq3A_322 = arith.constant 4 : i32
    %eq3A_323 = vector.broadcast %eq3A_322 : i32 to vector<16xi32>
    %eq3A_324 = arith.cmpi eq, %select_n3A_265, %eq3A_323 : vector<16xi32>
    %eq3A_325 = arith.constant 4 : i32
    %eq3A_326 = vector.broadcast %eq3A_325 : i32 to vector<16xi32>
    %eq3A_327 = arith.cmpi eq, %select_n3A_261, %eq3A_326 : vector<16xi32>
    %select_n3A_328 = arith.select %eq3A_327, %sub3A_273, %broadcast_in_dim3A_275 : vector<16xi1>, vector<16xf32>
    %select_n3A_329 = arith.select %eq3A_324, %div3A_270, %select_n3A_328 : vector<16xi1>, vector<16xf32>
    %swap3A_330 = arith.constant 128 : index
    %swap3A_331 = tpu.vector_load %arg5[%swap3A_330] {strides = array<i32>} : memref<256xf32, #tpu.memory_space<vmem>>, vector<16xf32>,
    %swap3A_332 = vector.shape_cast %swap3A_331 : vector<16xf32> to vector<16xf32>
    %swap3A_333 = vector.shape_cast %select_n3A_329 : vector<16xf32> to vector<16xf32>
    tpu.vector_store %arg5[%swap3A_330], %swap3A_333 {strides = array<i32>} : memref<256xf32, #tpu.memory_space<vmem>>, vector<16xf32>,
    %eq3A_334 = arith.constant 5 : i32
    %eq3A_335 = vector.broadcast %eq3A_334 : i32 to vector<16xi32>
    %eq3A_336 = arith.cmpi eq, %select_n3A_265, %eq3A_335 : vector<16xi32>
    %eq3A_337 = arith.constant 5 : i32
    %eq3A_338 = vector.broadcast %eq3A_337 : i32 to vector<16xi32>
    %eq3A_339 = arith.cmpi eq, %select_n3A_261, %eq3A_338 : vector<16xi32>
    %select_n3A_340 = arith.select %eq3A_339, %sub3A_273, %broadcast_in_dim3A_275 : vector<16xi1>, vector<16xf32>
    %select_n3A_341 = arith.select %eq3A_336, %div3A_270, %select_n3A_340 : vector<16xi1>, vector<16xf32>
    %swap3A_342 = arith.constant 160 : index
    %swap3A_343 = tpu.vector_load %arg5[%swap3A_342] {strides = array<i32>} : memref<256xf32, #tpu.memory_space<vmem>>, vector<16xf32>,
    %swap3A_344 = vector.shape_cast %swap3A_343 : vector<16xf32> to vector<16xf32>
    %swap3A_345 = vector.shape_cast %select_n3A_341 : vector<16xf32> to vector<16xf32>
    tpu.vector_store %arg5[%swap3A_342], %swap3A_345 {strides = array<i32>} : memref<256xf32, #tpu.memory_space<vmem>>, vector<16xf32>,
    %eq3A_346 = arith.constant 6 : i32
    %eq3A_347 = vector.broadcast %eq3A_346 : i32 to vector<16xi32>
    %eq3A_348 = arith.cmpi eq, %select_n3A_265, %eq3A_347 : vector<16xi32>
    %eq3A_349 = arith.constant 6 : i32
    %eq3A_350 = vector.broadcast %eq3A_349 : i32 to vector<16xi32>
    %eq3A_351 = arith.cmpi eq, %select_n3A_261, %eq3A_350 : vector<16xi32>
    %select_n3A_352 = arith.select %eq3A_351, %sub3A_273, %broadcast_in_dim3A_275 : vector<16xi1>, vector<16xf32>
    %select_n3A_353 = arith.select %eq3A_348, %div3A_270, %select_n3A_352 : vector<16xi1>, vector<16xf32>
    %swap3A_354 = arith.constant 192 : index
    %swap3A_355 = tpu.vector_load %arg5[%swap3A_354] {strides = array<i32>} : memref<256xf32, #tpu.memory_space<vmem>>, vector<16xf32>,
    %swap3A_356 = vector.shape_cast %swap3A_355 : vector<16xf32> to vector<16xf32>
    %swap3A_357 = vector.shape_cast %select_n3A_353 : vector<16xf32> to vector<16xf32>
    tpu.vector_store %arg5[%swap3A_354], %swap3A_357 {strides = array<i32>} : memref<256xf32, #tpu.memory_space<vmem>>, vector<16xf32>,
    %eq3A_358 = arith.constant 7 : i32
    %eq3A_359 = vector.broadcast %eq3A_358 : i32 to vector<16xi32>
    %eq3A_360 = arith.cmpi eq, %select_n3A_265, %eq3A_359 : vector<16xi32>
    %eq3A_361 = arith.constant 7 : i32
    %eq3A_362 = vector.broadcast %eq3A_361 : i32 to vector<16xi32>
    %eq3A_363 = arith.cmpi eq, %select_n3A_261, %eq3A_362 : vector<16xi32>
    %select_n3A_364 = arith.select %eq3A_363, %sub3A_273, %broadcast_in_dim3A_275 : vector<16xi1>, vector<16xf32>
    %select_n3A_365 = arith.select %eq3A_360, %div3A_270, %select_n3A_364 : vector<16xi1>, vector<16xf32>
    %swap3A_366 = arith.constant 224 : index
    %swap3A_367 = tpu.vector_load %arg5[%swap3A_366] {strides = array<i32>} : memref<256xf32, #tpu.memory_space<vmem>>, vector<16xf32>,
    %swap3A_368 = vector.shape_cast %swap3A_367 : vector<16xf32> to vector<16xf32>
    %swap3A_369 = vector.shape_cast %select_n3A_365 : vector<16xf32> to vector<16xf32>
    tpu.vector_store %arg5[%swap3A_366], %swap3A_369 {strides = array<i32>} : memref<256xf32, #tpu.memory_space<vmem>>, vector<16xf32>,
    %broadcast_in_dim3A_370 = arith.constant -1.000000e+30 : f32
    %broadcast_in_dim3A_371 = vector.broadcast %broadcast_in_dim3A_370 : f32 to vector<16xf32>
    %broadcast_in_dim3A_372 = arith.constant 0 : i32
    %broadcast_in_dim3A_373 = vector.broadcast %broadcast_in_dim3A_372 : i32 to vector<16xi32>
    %broadcast_in_dim3A_374 = arith.constant 0 : i32
    %broadcast_in_dim3A_375 = vector.broadcast %broadcast_in_dim3A_374 : i32 to vector<16xi32>
    %get3A_376 = arith.constant 16 : index
    %get3A_377 = tpu.vector_load %arg4[%get3A_376] {strides = array<i32>} : memref<256xf32, #tpu.memory_space<vmem>>, vector<16xf32>,
    %get3A_378 = vector.shape_cast %get3A_377 : vector<16xf32> to vector<16xf32>
    %gt3A_379 = arith.cmpf ogt, %get3A_378, %broadcast_in_dim3A_371 : vector<16xf32>
    %gt3A_380 = arith.cmpf ogt, %get3A_378, %broadcast_in_dim3A_371 : vector<16xf32>
    %select_n3A_381 = arith.select %gt3A_380, %get3A_378, %broadcast_in_dim3A_371 : vector<16xi1>, vector<16xf32>
    %select_n3A_382 = arith.select %gt3A_379, %broadcast_in_dim3A_371, %select_n3A_381 : vector<16xi1>, vector<16xf32>
    %jit3A_383 = arith.constant 0 : i32
    %broadcast_in_dim3A_384 = vector.broadcast %jit3A_383 : i32 to vector<16xi32>
    %select_n3A_385 = arith.select %gt3A_380, %broadcast_in_dim3A_384, %broadcast_in_dim3A_375 : vector<16xi1>, vector<16xi32>
    %select_n3A_386 = arith.select %gt3A_379, %broadcast_in_dim3A_373, %select_n3A_385 : vector<16xi1>, vector<16xi32>
    %select_n3A_387 = arith.select %gt3A_379, %get3A_378, %broadcast_in_dim3A_371 : vector<16xi1>, vector<16xf32>
    %jit3A_388 = arith.constant 0 : i32
    %broadcast_in_dim3A_389 = vector.broadcast %jit3A_388 : i32 to vector<16xi32>
    %select_n3A_390 = arith.select %gt3A_379, %broadcast_in_dim3A_389, %broadcast_in_dim3A_373 : vector<16xi1>, vector<16xi32>
    %get3A_391 = arith.constant 48 : index
    %get3A_392 = tpu.vector_load %arg4[%get3A_391] {strides = array<i32>} : memref<256xf32, #tpu.memory_space<vmem>>, vector<16xf32>,
    %get3A_393 = vector.shape_cast %get3A_392 : vector<16xf32> to vector<16xf32>
    %gt3A_394 = arith.cmpf ogt, %get3A_393, %select_n3A_387 : vector<16xf32>
    %gt3A_395 = arith.cmpf ogt, %get3A_393, %select_n3A_382 : vector<16xf32>
    %select_n3A_396 = arith.select %gt3A_395, %get3A_393, %select_n3A_382 : vector<16xi1>, vector<16xf32>
    %select_n3A_397 = arith.select %gt3A_394, %select_n3A_387, %select_n3A_396 : vector<16xi1>, vector<16xf32>
    %jit3A_398 = arith.constant 1 : i32
    %broadcast_in_dim3A_399 = vector.broadcast %jit3A_398 : i32 to vector<16xi32>
    %select_n3A_400 = arith.select %gt3A_395, %broadcast_in_dim3A_399, %select_n3A_386 : vector<16xi1>, vector<16xi32>
    %select_n3A_401 = arith.select %gt3A_394, %select_n3A_390, %select_n3A_400 : vector<16xi1>, vector<16xi32>
    %select_n3A_402 = arith.select %gt3A_394, %get3A_393, %select_n3A_387 : vector<16xi1>, vector<16xf32>
    %jit3A_403 = arith.constant 1 : i32
    %broadcast_in_dim3A_404 = vector.broadcast %jit3A_403 : i32 to vector<16xi32>
    %select_n3A_405 = arith.select %gt3A_394, %broadcast_in_dim3A_404, %select_n3A_390 : vector<16xi1>, vector<16xi32>
    %get3A_406 = arith.constant 80 : index
    %get3A_407 = tpu.vector_load %arg4[%get3A_406] {strides = array<i32>} : memref<256xf32, #tpu.memory_space<vmem>>, vector<16xf32>,
    %get3A_408 = vector.shape_cast %get3A_407 : vector<16xf32> to vector<16xf32>
    %gt3A_409 = arith.cmpf ogt, %get3A_408, %select_n3A_402 : vector<16xf32>
    %gt3A_410 = arith.cmpf ogt, %get3A_408, %select_n3A_397 : vector<16xf32>
    %select_n3A_411 = arith.select %gt3A_410, %get3A_408, %select_n3A_397 : vector<16xi1>, vector<16xf32>
    %select_n3A_412 = arith.select %gt3A_409, %select_n3A_402, %select_n3A_411 : vector<16xi1>, vector<16xf32>
    %jit3A_413 = arith.constant 2 : i32
    %broadcast_in_dim3A_414 = vector.broadcast %jit3A_413 : i32 to vector<16xi32>
    %select_n3A_415 = arith.select %gt3A_410, %broadcast_in_dim3A_414, %select_n3A_401 : vector<16xi1>, vector<16xi32>
    %select_n3A_416 = arith.select %gt3A_409, %select_n3A_405, %select_n3A_415 : vector<16xi1>, vector<16xi32>
    %select_n3A_417 = arith.select %gt3A_409, %get3A_408, %select_n3A_402 : vector<16xi1>, vector<16xf32>
    %jit3A_418 = arith.constant 2 : i32
    %broadcast_in_dim3A_419 = vector.broadcast %jit3A_418 : i32 to vector<16xi32>
    %select_n3A_420 = arith.select %gt3A_409, %broadcast_in_dim3A_419, %select_n3A_405 : vector<16xi1>, vector<16xi32>
    %get3A_421 = arith.constant 112 : index
    %get3A_422 = tpu.vector_load %arg4[%get3A_421] {strides = array<i32>} : memref<256xf32, #tpu.memory_space<vmem>>, vector<16xf32>,
    %get3A_423 = vector.shape_cast %get3A_422 : vector<16xf32> to vector<16xf32>
    %gt3A_424 = arith.cmpf ogt, %get3A_423, %select_n3A_417 : vector<16xf32>
    %gt3A_425 = arith.cmpf ogt, %get3A_423, %select_n3A_412 : vector<16xf32>
    %select_n3A_426 = arith.select %gt3A_425, %get3A_423, %select_n3A_412 : vector<16xi1>, vector<16xf32>
    %select_n3A_427 = arith.select %gt3A_424, %select_n3A_417, %select_n3A_426 : vector<16xi1>, vector<16xf32>
    %jit3A_428 = arith.constant 3 : i32
    %broadcast_in_dim3A_429 = vector.broadcast %jit3A_428 : i32 to vector<16xi32>
    %select_n3A_430 = arith.select %gt3A_425, %broadcast_in_dim3A_429, %select_n3A_416 : vector<16xi1>, vector<16xi32>
    %select_n3A_431 = arith.select %gt3A_424, %select_n3A_420, %select_n3A_430 : vector<16xi1>, vector<16xi32>
    %select_n3A_432 = arith.select %gt3A_424, %get3A_423, %select_n3A_417 : vector<16xi1>, vector<16xf32>
    %jit3A_433 = arith.constant 3 : i32
    %broadcast_in_dim3A_434 = vector.broadcast %jit3A_433 : i32 to vector<16xi32>
    %select_n3A_435 = arith.select %gt3A_424, %broadcast_in_dim3A_434, %select_n3A_420 : vector<16xi1>, vector<16xi32>
    %get3A_436 = arith.constant 144 : index
    %get3A_437 = tpu.vector_load %arg4[%get3A_436] {strides = array<i32>} : memref<256xf32, #tpu.memory_space<vmem>>, vector<16xf32>,
    %get3A_438 = vector.shape_cast %get3A_437 : vector<16xf32> to vector<16xf32>
    %gt3A_439 = arith.cmpf ogt, %get3A_438, %select_n3A_432 : vector<16xf32>
    %gt3A_440 = arith.cmpf ogt, %get3A_438, %select_n3A_427 : vector<16xf32>
    %select_n3A_441 = arith.select %gt3A_440, %get3A_438, %select_n3A_427 : vector<16xi1>, vector<16xf32>
    %select_n3A_442 = arith.select %gt3A_439, %select_n3A_432, %select_n3A_441 : vector<16xi1>, vector<16xf32>
    %jit3A_443 = arith.constant 4 : i32
    %broadcast_in_dim3A_444 = vector.broadcast %jit3A_443 : i32 to vector<16xi32>
    %select_n3A_445 = arith.select %gt3A_440, %broadcast_in_dim3A_444, %select_n3A_431 : vector<16xi1>, vector<16xi32>
    %select_n3A_446 = arith.select %gt3A_439, %select_n3A_435, %select_n3A_445 : vector<16xi1>, vector<16xi32>
    %select_n3A_447 = arith.select %gt3A_439, %get3A_438, %select_n3A_432 : vector<16xi1>, vector<16xf32>
    %jit3A_448 = arith.constant 4 : i32
    %broadcast_in_dim3A_449 = vector.broadcast %jit3A_448 : i32 to vector<16xi32>
    %select_n3A_450 = arith.select %gt3A_439, %broadcast_in_dim3A_449, %select_n3A_435 : vector<16xi1>, vector<16xi32>
    %get3A_451 = arith.constant 176 : index
    %get3A_452 = tpu.vector_load %arg4[%get3A_451] {strides = array<i32>} : memref<256xf32, #tpu.memory_space<vmem>>, vector<16xf32>,
    %get3A_453 = vector.shape_cast %get3A_452 : vector<16xf32> to vector<16xf32>
    %gt3A_454 = arith.cmpf ogt, %get3A_453, %select_n3A_447 : vector<16xf32>
    %gt3A_455 = arith.cmpf ogt, %get3A_453, %select_n3A_442 : vector<16xf32>
    %select_n3A_456 = arith.select %gt3A_455, %get3A_453, %select_n3A_442 : vector<16xi1>, vector<16xf32>
    %select_n3A_457 = arith.select %gt3A_454, %select_n3A_447, %select_n3A_456 : vector<16xi1>, vector<16xf32>
    %jit3A_458 = arith.constant 5 : i32
    %broadcast_in_dim3A_459 = vector.broadcast %jit3A_458 : i32 to vector<16xi32>
    %select_n3A_460 = arith.select %gt3A_455, %broadcast_in_dim3A_459, %select_n3A_446 : vector<16xi1>, vector<16xi32>
    %select_n3A_461 = arith.select %gt3A_454, %select_n3A_450, %select_n3A_460 : vector<16xi1>, vector<16xi32>
    %select_n3A_462 = arith.select %gt3A_454, %get3A_453, %select_n3A_447 : vector<16xi1>, vector<16xf32>
    %jit3A_463 = arith.constant 5 : i32
    %broadcast_in_dim3A_464 = vector.broadcast %jit3A_463 : i32 to vector<16xi32>
    %select_n3A_465 = arith.select %gt3A_454, %broadcast_in_dim3A_464, %select_n3A_450 : vector<16xi1>, vector<16xi32>
    %get3A_466 = arith.constant 208 : index
    %get3A_467 = tpu.vector_load %arg4[%get3A_466] {strides = array<i32>} : memref<256xf32, #tpu.memory_space<vmem>>, vector<16xf32>,
    %get3A_468 = vector.shape_cast %get3A_467 : vector<16xf32> to vector<16xf32>
    %gt3A_469 = arith.cmpf ogt, %get3A_468, %select_n3A_462 : vector<16xf32>
    %gt3A_470 = arith.cmpf ogt, %get3A_468, %select_n3A_457 : vector<16xf32>
    %select_n3A_471 = arith.select %gt3A_470, %get3A_468, %select_n3A_457 : vector<16xi1>, vector<16xf32>
    %select_n3A_472 = arith.select %gt3A_469, %select_n3A_462, %select_n3A_471 : vector<16xi1>, vector<16xf32>
    %jit3A_473 = arith.constant 6 : i32
    %broadcast_in_dim3A_474 = vector.broadcast %jit3A_473 : i32 to vector<16xi32>
    %select_n3A_475 = arith.select %gt3A_470, %broadcast_in_dim3A_474, %select_n3A_461 : vector<16xi1>, vector<16xi32>
    %select_n3A_476 = arith.select %gt3A_469, %select_n3A_465, %select_n3A_475 : vector<16xi1>, vector<16xi32>
    %select_n3A_477 = arith.select %gt3A_469, %get3A_468, %select_n3A_462 : vector<16xi1>, vector<16xf32>
    %jit3A_478 = arith.constant 6 : i32
    %broadcast_in_dim3A_479 = vector.broadcast %jit3A_478 : i32 to vector<16xi32>
    %select_n3A_480 = arith.select %gt3A_469, %broadcast_in_dim3A_479, %select_n3A_465 : vector<16xi1>, vector<16xi32>
    %get3A_481 = arith.constant 240 : index
    %get3A_482 = tpu.vector_load %arg4[%get3A_481] {strides = array<i32>} : memref<256xf32, #tpu.memory_space<vmem>>, vector<16xf32>,
    %get3A_483 = vector.shape_cast %get3A_482 : vector<16xf32> to vector<16xf32>
    %gt3A_484 = arith.cmpf ogt, %get3A_483, %select_n3A_477 : vector<16xf32>
    %gt3A_485 = arith.cmpf ogt, %get3A_483, %select_n3A_472 : vector<16xf32>
    %select_n3A_486 = arith.select %gt3A_485, %get3A_483, %select_n3A_472 : vector<16xi1>, vector<16xf32>
    %select_n3A_487 = arith.select %gt3A_484, %select_n3A_477, %select_n3A_486 : vector<16xi1>, vector<16xf32>
    %jit3A_488 = arith.constant 7 : i32
    %broadcast_in_dim3A_489 = vector.broadcast %jit3A_488 : i32 to vector<16xi32>
    %select_n3A_490 = arith.select %gt3A_485, %broadcast_in_dim3A_489, %select_n3A_476 : vector<16xi1>, vector<16xi32>
    %select_n3A_491 = arith.select %gt3A_484, %select_n3A_480, %select_n3A_490 : vector<16xi1>, vector<16xi32>
    %select_n3A_492 = arith.select %gt3A_484, %get3A_483, %select_n3A_477 : vector<16xi1>, vector<16xf32>
    %jit3A_493 = arith.constant 7 : i32
    %broadcast_in_dim3A_494 = vector.broadcast %jit3A_493 : i32 to vector<16xi32>
    %select_n3A_495 = arith.select %gt3A_484, %broadcast_in_dim3A_494, %select_n3A_480 : vector<16xi1>, vector<16xi32>
    %sub3A_496 = arith.subf %select_n3A_487, %select_n3A_492 : vector<16xf32>
    %exp3A_497 = math.exp %sub3A_496 : vector<16xf32>
    %add3A_498 = arith.constant 1.000000e+00 : f32
    %add3A_499 = vector.broadcast %add3A_498 : f32 to vector<16xf32>
    %add3A_500 = arith.addf %add3A_499, %exp3A_497 : vector<16xf32>
    %div3A_501 = arith.constant 1.000000e+00 : f32
    %div3A_502 = vector.broadcast %div3A_501 : f32 to vector<16xf32>
    %div3A_503 = arith.divf %div3A_502, %add3A_500 : vector<16xf32>
    %sub3A_504 = arith.constant 1.000000e+00 : f32
    %sub3A_505 = vector.broadcast %sub3A_504 : f32 to vector<16xf32>
    %sub3A_506 = arith.subf %sub3A_505, %div3A_503 : vector<16xf32>
    %broadcast_in_dim3A_507 = arith.constant 0.000000e+00 : f32
    %broadcast_in_dim3A_508 = vector.broadcast %broadcast_in_dim3A_507 : f32 to vector<16xf32>
    %eq3A_509 = arith.constant 0 : i32
    %eq3A_510 = vector.broadcast %eq3A_509 : i32 to vector<16xi32>
    %eq3A_511 = arith.cmpi eq, %select_n3A_495, %eq3A_510 : vector<16xi32>
    %eq3A_512 = arith.constant 0 : i32
    %eq3A_513 = vector.broadcast %eq3A_512 : i32 to vector<16xi32>
    %eq3A_514 = arith.cmpi eq, %select_n3A_491, %eq3A_513 : vector<16xi32>
    %select_n3A_515 = arith.select %eq3A_514, %sub3A_506, %broadcast_in_dim3A_508 : vector<16xi1>, vector<16xf32>
    %select_n3A_516 = arith.select %eq3A_511, %div3A_503, %select_n3A_515 : vector<16xi1>, vector<16xf32>
    %swap3A_517 = arith.constant 16 : index
    %swap3A_518 = tpu.vector_load %arg5[%swap3A_517] {strides = array<i32>} : memref<256xf32, #tpu.memory_space<vmem>>, vector<16xf32>,
    %swap3A_519 = vector.shape_cast %swap3A_518 : vector<16xf32> to vector<16xf32>
    %swap3A_520 = vector.shape_cast %select_n3A_516 : vector<16xf32> to vector<16xf32>
    tpu.vector_store %arg5[%swap3A_517], %swap3A_520 {strides = array<i32>} : memref<256xf32, #tpu.memory_space<vmem>>, vector<16xf32>,
    %eq3A_521 = arith.constant 1 : i32
    %eq3A_522 = vector.broadcast %eq3A_521 : i32 to vector<16xi32>
    %eq3A_523 = arith.cmpi eq, %select_n3A_495, %eq3A_522 : vector<16xi32>
    %eq3A_524 = arith.constant 1 : i32
    %eq3A_525 = vector.broadcast %eq3A_524 : i32 to vector<16xi32>
    %eq3A_526 = arith.cmpi eq, %select_n3A_491, %eq3A_525 : vector<16xi32>
    %select_n3A_527 = arith.select %eq3A_526, %sub3A_506, %broadcast_in_dim3A_508 : vector<16xi1>, vector<16xf32>
    %select_n3A_528 = arith.select %eq3A_523, %div3A_503, %select_n3A_527 : vector<16xi1>, vector<16xf32>
    %swap3A_529 = arith.constant 48 : index
    %swap3A_530 = tpu.vector_load %arg5[%swap3A_529] {strides = array<i32>} : memref<256xf32, #tpu.memory_space<vmem>>, vector<16xf32>,
    %swap3A_531 = vector.shape_cast %swap3A_530 : vector<16xf32> to vector<16xf32>
    %swap3A_532 = vector.shape_cast %select_n3A_528 : vector<16xf32> to vector<16xf32>
    tpu.vector_store %arg5[%swap3A_529], %swap3A_532 {strides = array<i32>} : memref<256xf32, #tpu.memory_space<vmem>>, vector<16xf32>,
    %eq3A_533 = arith.constant 2 : i32
    %eq3A_534 = vector.broadcast %eq3A_533 : i32 to vector<16xi32>
    %eq3A_535 = arith.cmpi eq, %select_n3A_495, %eq3A_534 : vector<16xi32>
    %eq3A_536 = arith.constant 2 : i32
    %eq3A_537 = vector.broadcast %eq3A_536 : i32 to vector<16xi32>
    %eq3A_538 = arith.cmpi eq, %select_n3A_491, %eq3A_537 : vector<16xi32>
    %select_n3A_539 = arith.select %eq3A_538, %sub3A_506, %broadcast_in_dim3A_508 : vector<16xi1>, vector<16xf32>
    %select_n3A_540 = arith.select %eq3A_535, %div3A_503, %select_n3A_539 : vector<16xi1>, vector<16xf32>
    %swap3A_541 = arith.constant 80 : index
    %swap3A_542 = tpu.vector_load %arg5[%swap3A_541] {strides = array<i32>} : memref<256xf32, #tpu.memory_space<vmem>>, vector<16xf32>,
    %swap3A_543 = vector.shape_cast %swap3A_542 : vector<16xf32> to vector<16xf32>
    %swap3A_544 = vector.shape_cast %select_n3A_540 : vector<16xf32> to vector<16xf32>
    tpu.vector_store %arg5[%swap3A_541], %swap3A_544 {strides = array<i32>} : memref<256xf32, #tpu.memory_space<vmem>>, vector<16xf32>,
    %eq3A_545 = arith.constant 3 : i32
    %eq3A_546 = vector.broadcast %eq3A_545 : i32 to vector<16xi32>
    %eq3A_547 = arith.cmpi eq, %select_n3A_495, %eq3A_546 : vector<16xi32>
    %eq3A_548 = arith.constant 3 : i32
    %eq3A_549 = vector.broadcast %eq3A_548 : i32 to vector<16xi32>
    %eq3A_550 = arith.cmpi eq, %select_n3A_491, %eq3A_549 : vector<16xi32>
    %select_n3A_551 = arith.select %eq3A_550, %sub3A_506, %broadcast_in_dim3A_508 : vector<16xi1>, vector<16xf32>
    %select_n3A_552 = arith.select %eq3A_547, %div3A_503, %select_n3A_551 : vector<16xi1>, vector<16xf32>
    %swap3A_553 = arith.constant 112 : index
    %swap3A_554 = tpu.vector_load %arg5[%swap3A_553] {strides = array<i32>} : memref<256xf32, #tpu.memory_space<vmem>>, vector<16xf32>,
    %swap3A_555 = vector.shape_cast %swap3A_554 : vector<16xf32> to vector<16xf32>
    %swap3A_556 = vector.shape_cast %select_n3A_552 : vector<16xf32> to vector<16xf32>
    tpu.vector_store %arg5[%swap3A_553], %swap3A_556 {strides = array<i32>} : memref<256xf32, #tpu.memory_space<vmem>>, vector<16xf32>,
    %eq3A_557 = arith.constant 4 : i32
    %eq3A_558 = vector.broadcast %eq3A_557 : i32 to vector<16xi32>
    %eq3A_559 = arith.cmpi eq, %select_n3A_495, %eq3A_558 : vector<16xi32>
    %eq3A_560 = arith.constant 4 : i32
    %eq3A_561 = vector.broadcast %eq3A_560 : i32 to vector<16xi32>
    %eq3A_562 = arith.cmpi eq, %select_n3A_491, %eq3A_561 : vector<16xi32>
    %select_n3A_563 = arith.select %eq3A_562, %sub3A_506, %broadcast_in_dim3A_508 : vector<16xi1>, vector<16xf32>
    %select_n3A_564 = arith.select %eq3A_559, %div3A_503, %select_n3A_563 : vector<16xi1>, vector<16xf32>
    %swap3A_565 = arith.constant 144 : index
    %swap3A_566 = tpu.vector_load %arg5[%swap3A_565] {strides = array<i32>} : memref<256xf32, #tpu.memory_space<vmem>>, vector<16xf32>,
    %swap3A_567 = vector.shape_cast %swap3A_566 : vector<16xf32> to vector<16xf32>
    %swap3A_568 = vector.shape_cast %select_n3A_564 : vector<16xf32> to vector<16xf32>
    tpu.vector_store %arg5[%swap3A_565], %swap3A_568 {strides = array<i32>} : memref<256xf32, #tpu.memory_space<vmem>>, vector<16xf32>,
    %eq3A_569 = arith.constant 5 : i32
    %eq3A_570 = vector.broadcast %eq3A_569 : i32 to vector<16xi32>
    %eq3A_571 = arith.cmpi eq, %select_n3A_495, %eq3A_570 : vector<16xi32>
    %eq3A_572 = arith.constant 5 : i32
    %eq3A_573 = vector.broadcast %eq3A_572 : i32 to vector<16xi32>
    %eq3A_574 = arith.cmpi eq, %select_n3A_491, %eq3A_573 : vector<16xi32>
    %select_n3A_575 = arith.select %eq3A_574, %sub3A_506, %broadcast_in_dim3A_508 : vector<16xi1>, vector<16xf32>
    %select_n3A_576 = arith.select %eq3A_571, %div3A_503, %select_n3A_575 : vector<16xi1>, vector<16xf32>
    %swap3A_577 = arith.constant 176 : index
    %swap3A_578 = tpu.vector_load %arg5[%swap3A_577] {strides = array<i32>} : memref<256xf32, #tpu.memory_space<vmem>>, vector<16xf32>,
    %swap3A_579 = vector.shape_cast %swap3A_578 : vector<16xf32> to vector<16xf32>
    %swap3A_580 = vector.shape_cast %select_n3A_576 : vector<16xf32> to vector<16xf32>
    tpu.vector_store %arg5[%swap3A_577], %swap3A_580 {strides = array<i32>} : memref<256xf32, #tpu.memory_space<vmem>>, vector<16xf32>,
    %eq3A_581 = arith.constant 6 : i32
    %eq3A_582 = vector.broadcast %eq3A_581 : i32 to vector<16xi32>
    %eq3A_583 = arith.cmpi eq, %select_n3A_495, %eq3A_582 : vector<16xi32>
    %eq3A_584 = arith.constant 6 : i32
    %eq3A_585 = vector.broadcast %eq3A_584 : i32 to vector<16xi32>
    %eq3A_586 = arith.cmpi eq, %select_n3A_491, %eq3A_585 : vector<16xi32>
    %select_n3A_587 = arith.select %eq3A_586, %sub3A_506, %broadcast_in_dim3A_508 : vector<16xi1>, vector<16xf32>
    %select_n3A_588 = arith.select %eq3A_583, %div3A_503, %select_n3A_587 : vector<16xi1>, vector<16xf32>
    %swap3A_589 = arith.constant 208 : index
    %swap3A_590 = tpu.vector_load %arg5[%swap3A_589] {strides = array<i32>} : memref<256xf32, #tpu.memory_space<vmem>>, vector<16xf32>,
    %swap3A_591 = vector.shape_cast %swap3A_590 : vector<16xf32> to vector<16xf32>
    %swap3A_592 = vector.shape_cast %select_n3A_588 : vector<16xf32> to vector<16xf32>
    tpu.vector_store %arg5[%swap3A_589], %swap3A_592 {strides = array<i32>} : memref<256xf32, #tpu.memory_space<vmem>>, vector<16xf32>,
    %eq3A_593 = arith.constant 7 : i32
    %eq3A_594 = vector.broadcast %eq3A_593 : i32 to vector<16xi32>
    %eq3A_595 = arith.cmpi eq, %select_n3A_495, %eq3A_594 : vector<16xi32>
    %eq3A_596 = arith.constant 7 : i32
    %eq3A_597 = vector.broadcast %eq3A_596 : i32 to vector<16xi32>
    %eq3A_598 = arith.cmpi eq, %select_n3A_491, %eq3A_597 : vector<16xi32>
    %select_n3A_599 = arith.select %eq3A_598, %sub3A_506, %broadcast_in_dim3A_508 : vector<16xi1>, vector<16xf32>
    %select_n3A_600 = arith.select %eq3A_595, %div3A_503, %select_n3A_599 : vector<16xi1>, vector<16xf32>
    %swap3A_601 = arith.constant 240 : index
    %swap3A_602 = tpu.vector_load %arg5[%swap3A_601] {strides = array<i32>} : memref<256xf32, #tpu.memory_space<vmem>>, vector<16xf32>,
    %swap3A_603 = vector.shape_cast %swap3A_602 : vector<16xf32> to vector<16xf32>
    %swap3A_604 = vector.shape_cast %select_n3A_600 : vector<16xf32> to vector<16xf32>
    tpu.vector_store %arg5[%swap3A_601], %swap3A_604 {strides = array<i32>} : memref<256xf32, #tpu.memory_space<vmem>>, vector<16xf32>,
    %dma_start3A_605 = arith.constant 0 : i32
    %dma_start3A_606 = arith.constant 0 : i32
    %dma_start3A_607 = tpu.memref_slice %arg5[%dma_start3A_606] : memref<256xf32, #tpu.memory_space<vmem>> -> memref<32xf32, #tpu.memory_space<vmem>>
    %dma_start3A_608 = tpu.memref_slice %arg3[%dma_start3A_605, %mul3A_2] : memref<8x1024xf32, #tpu.memory_space<hbm>> -> memref<1x32xf32, #tpu.memory_space<hbm>>
    %dma_start3A_609 = tpu.memref_squeeze %dma_start3A_608 : memref<1x32xf32, #tpu.memory_space<hbm>> -> memref<32xf32, #tpu.memory_space<hbm>>
    %dma_start3A_610 = tpu.memref_slice %arg3[%dma_start3A_605, %mul3A_2] : memref<8x1024xf32, #tpu.memory_space<hbm>> -> memref<1x32xf32, #tpu.memory_space<hbm>>
    %dma_start3A_611 = tpu.memref_squeeze %dma_start3A_610 : memref<1x32xf32, #tpu.memory_space<hbm>> -> memref<32xf32, #tpu.memory_space<hbm>>
    %dma_start3A_612 = arith.constant 0 : i32
    %dma_start3A_613 = tpu.memref_slice %arg5[%dma_start3A_612] : memref<256xf32, #tpu.memory_space<vmem>> -> memref<32xf32, #tpu.memory_space<vmem>>
    tpu.enqueue_dma source(%dma_start3A_613 : memref<32xf32, #tpu.memory_space<vmem>>) target(%dma_start3A_611 : memref<32xf32, #tpu.memory_space<hbm>>) target_semaphore(%arg6 : memref<!tpu.dma_semaphore, #tpu.memory_space<semaphore_mem>>)
    %dma_start3A_614 = arith.constant 1 : i32
    %dma_start3A_615 = arith.constant 32 : i32
    %dma_start3A_616 = tpu.memref_slice %arg5[%dma_start3A_615] : memref<256xf32, #tpu.memory_space<vmem>> -> memref<32xf32, #tpu.memory_space<vmem>>
    %dma_start3A_617 = tpu.memref_slice %arg3[%dma_start3A_614, %mul3A_2] : memref<8x1024xf32, #tpu.memory_space<hbm>> -> memref<1x32xf32, #tpu.memory_space<hbm>>
    %dma_start3A_618 = tpu.memref_squeeze %dma_start3A_617 : memref<1x32xf32, #tpu.memory_space<hbm>> -> memref<32xf32, #tpu.memory_space<hbm>>
    %dma_start3A_619 = tpu.memref_slice %arg3[%dma_start3A_614, %mul3A_2] : memref<8x1024xf32, #tpu.memory_space<hbm>> -> memref<1x32xf32, #tpu.memory_space<hbm>>
    %dma_start3A_620 = tpu.memref_squeeze %dma_start3A_619 : memref<1x32xf32, #tpu.memory_space<hbm>> -> memref<32xf32, #tpu.memory_space<hbm>>
    %dma_start3A_621 = arith.constant 32 : i32
    %dma_start3A_622 = tpu.memref_slice %arg5[%dma_start3A_621] : memref<256xf32, #tpu.memory_space<vmem>> -> memref<32xf32, #tpu.memory_space<vmem>>
    tpu.enqueue_dma source(%dma_start3A_622 : memref<32xf32, #tpu.memory_space<vmem>>) target(%dma_start3A_620 : memref<32xf32, #tpu.memory_space<hbm>>) target_semaphore(%arg6 : memref<!tpu.dma_semaphore, #tpu.memory_space<semaphore_mem>>)
    %dma_start3A_623 = arith.constant 2 : i32
    %dma_start3A_624 = arith.constant 64 : i32
    %dma_start3A_625 = tpu.memref_slice %arg5[%dma_start3A_624] : memref<256xf32, #tpu.memory_space<vmem>> -> memref<32xf32, #tpu.memory_space<vmem>>
    %dma_start3A_626 = tpu.memref_slice %arg3[%dma_start3A_623, %mul3A_2] : memref<8x1024xf32, #tpu.memory_space<hbm>> -> memref<1x32xf32, #tpu.memory_space<hbm>>
    %dma_start3A_627 = tpu.memref_squeeze %dma_start3A_626 : memref<1x32xf32, #tpu.memory_space<hbm>> -> memref<32xf32, #tpu.memory_space<hbm>>
    %dma_start3A_628 = tpu.memref_slice %arg3[%dma_start3A_623, %mul3A_2] : memref<8x1024xf32, #tpu.memory_space<hbm>> -> memref<1x32xf32, #tpu.memory_space<hbm>>
    %dma_start3A_629 = tpu.memref_squeeze %dma_start3A_628 : memref<1x32xf32, #tpu.memory_space<hbm>> -> memref<32xf32, #tpu.memory_space<hbm>>
    %dma_start3A_630 = arith.constant 64 : i32
    %dma_start3A_631 = tpu.memref_slice %arg5[%dma_start3A_630] : memref<256xf32, #tpu.memory_space<vmem>> -> memref<32xf32, #tpu.memory_space<vmem>>
    tpu.enqueue_dma source(%dma_start3A_631 : memref<32xf32, #tpu.memory_space<vmem>>) target(%dma_start3A_629 : memref<32xf32, #tpu.memory_space<hbm>>) target_semaphore(%arg6 : memref<!tpu.dma_semaphore, #tpu.memory_space<semaphore_mem>>)
    %dma_start3A_632 = arith.constant 3 : i32
    %dma_start3A_633 = arith.constant 96 : i32
    %dma_start3A_634 = tpu.memref_slice %arg5[%dma_start3A_633] : memref<256xf32, #tpu.memory_space<vmem>> -> memref<32xf32, #tpu.memory_space<vmem>>
    %dma_start3A_635 = tpu.memref_slice %arg3[%dma_start3A_632, %mul3A_2] : memref<8x1024xf32, #tpu.memory_space<hbm>> -> memref<1x32xf32, #tpu.memory_space<hbm>>
    %dma_start3A_636 = tpu.memref_squeeze %dma_start3A_635 : memref<1x32xf32, #tpu.memory_space<hbm>> -> memref<32xf32, #tpu.memory_space<hbm>>
    %dma_start3A_637 = tpu.memref_slice %arg3[%dma_start3A_632, %mul3A_2] : memref<8x1024xf32, #tpu.memory_space<hbm>> -> memref<1x32xf32, #tpu.memory_space<hbm>>
    %dma_start3A_638 = tpu.memref_squeeze %dma_start3A_637 : memref<1x32xf32, #tpu.memory_space<hbm>> -> memref<32xf32, #tpu.memory_space<hbm>>
    %dma_start3A_639 = arith.constant 96 : i32
    %dma_start3A_640 = tpu.memref_slice %arg5[%dma_start3A_639] : memref<256xf32, #tpu.memory_space<vmem>> -> memref<32xf32, #tpu.memory_space<vmem>>
    tpu.enqueue_dma source(%dma_start3A_640 : memref<32xf32, #tpu.memory_space<vmem>>) target(%dma_start3A_638 : memref<32xf32, #tpu.memory_space<hbm>>) target_semaphore(%arg6 : memref<!tpu.dma_semaphore, #tpu.memory_space<semaphore_mem>>)
    %dma_start3A_641 = arith.constant 4 : i32
    %dma_start3A_642 = arith.constant 128 : i32
    %dma_start3A_643 = tpu.memref_slice %arg5[%dma_start3A_642] : memref<256xf32, #tpu.memory_space<vmem>> -> memref<32xf32, #tpu.memory_space<vmem>>
    %dma_start3A_644 = tpu.memref_slice %arg3[%dma_start3A_641, %mul3A_2] : memref<8x1024xf32, #tpu.memory_space<hbm>> -> memref<1x32xf32, #tpu.memory_space<hbm>>
    %dma_start3A_645 = tpu.memref_squeeze %dma_start3A_644 : memref<1x32xf32, #tpu.memory_space<hbm>> -> memref<32xf32, #tpu.memory_space<hbm>>
    %dma_start3A_646 = tpu.memref_slice %arg3[%dma_start3A_641, %mul3A_2] : memref<8x1024xf32, #tpu.memory_space<hbm>> -> memref<1x32xf32, #tpu.memory_space<hbm>>
    %dma_start3A_647 = tpu.memref_squeeze %dma_start3A_646 : memref<1x32xf32, #tpu.memory_space<hbm>> -> memref<32xf32, #tpu.memory_space<hbm>>
    %dma_start3A_648 = arith.constant 128 : i32
    %dma_start3A_649 = tpu.memref_slice %arg5[%dma_start3A_648] : memref<256xf32, #tpu.memory_space<vmem>> -> memref<32xf32, #tpu.memory_space<vmem>>
    tpu.enqueue_dma source(%dma_start3A_649 : memref<32xf32, #tpu.memory_space<vmem>>) target(%dma_start3A_647 : memref<32xf32, #tpu.memory_space<hbm>>) target_semaphore(%arg6 : memref<!tpu.dma_semaphore, #tpu.memory_space<semaphore_mem>>)
    %dma_start3A_650 = arith.constant 5 : i32
    %dma_start3A_651 = arith.constant 160 : i32
    %dma_start3A_652 = tpu.memref_slice %arg5[%dma_start3A_651] : memref<256xf32, #tpu.memory_space<vmem>> -> memref<32xf32, #tpu.memory_space<vmem>>
    %dma_start3A_653 = tpu.memref_slice %arg3[%dma_start3A_650, %mul3A_2] : memref<8x1024xf32, #tpu.memory_space<hbm>> -> memref<1x32xf32, #tpu.memory_space<hbm>>
    %dma_start3A_654 = tpu.memref_squeeze %dma_start3A_653 : memref<1x32xf32, #tpu.memory_space<hbm>> -> memref<32xf32, #tpu.memory_space<hbm>>
    %dma_start3A_655 = tpu.memref_slice %arg3[%dma_start3A_650, %mul3A_2] : memref<8x1024xf32, #tpu.memory_space<hbm>> -> memref<1x32xf32, #tpu.memory_space<hbm>>
    %dma_start3A_656 = tpu.memref_squeeze %dma_start3A_655 : memref<1x32xf32, #tpu.memory_space<hbm>> -> memref<32xf32, #tpu.memory_space<hbm>>
    %dma_start3A_657 = arith.constant 160 : i32
    %dma_start3A_658 = tpu.memref_slice %arg5[%dma_start3A_657] : memref<256xf32, #tpu.memory_space<vmem>> -> memref<32xf32, #tpu.memory_space<vmem>>
    tpu.enqueue_dma source(%dma_start3A_658 : memref<32xf32, #tpu.memory_space<vmem>>) target(%dma_start3A_656 : memref<32xf32, #tpu.memory_space<hbm>>) target_semaphore(%arg6 : memref<!tpu.dma_semaphore, #tpu.memory_space<semaphore_mem>>)
    %dma_start3A_659 = arith.constant 6 : i32
    %dma_start3A_660 = arith.constant 192 : i32
    %dma_start3A_661 = tpu.memref_slice %arg5[%dma_start3A_660] : memref<256xf32, #tpu.memory_space<vmem>> -> memref<32xf32, #tpu.memory_space<vmem>>
    %dma_start3A_662 = tpu.memref_slice %arg3[%dma_start3A_659, %mul3A_2] : memref<8x1024xf32, #tpu.memory_space<hbm>> -> memref<1x32xf32, #tpu.memory_space<hbm>>
    %dma_start3A_663 = tpu.memref_squeeze %dma_start3A_662 : memref<1x32xf32, #tpu.memory_space<hbm>> -> memref<32xf32, #tpu.memory_space<hbm>>
    %dma_start3A_664 = tpu.memref_slice %arg3[%dma_start3A_659, %mul3A_2] : memref<8x1024xf32, #tpu.memory_space<hbm>> -> memref<1x32xf32, #tpu.memory_space<hbm>>
    %dma_start3A_665 = tpu.memref_squeeze %dma_start3A_664 : memref<1x32xf32, #tpu.memory_space<hbm>> -> memref<32xf32, #tpu.memory_space<hbm>>
    %dma_start3A_666 = arith.constant 192 : i32
    %dma_start3A_667 = tpu.memref_slice %arg5[%dma_start3A_666] : memref<256xf32, #tpu.memory_space<vmem>> -> memref<32xf32, #tpu.memory_space<vmem>>
    tpu.enqueue_dma source(%dma_start3A_667 : memref<32xf32, #tpu.memory_space<vmem>>) target(%dma_start3A_665 : memref<32xf32, #tpu.memory_space<hbm>>) target_semaphore(%arg6 : memref<!tpu.dma_semaphore, #tpu.memory_space<semaphore_mem>>)
    %dma_start3A_668 = arith.constant 7 : i32
    %dma_start3A_669 = arith.constant 224 : i32
    %dma_start3A_670 = tpu.memref_slice %arg5[%dma_start3A_669] : memref<256xf32, #tpu.memory_space<vmem>> -> memref<32xf32, #tpu.memory_space<vmem>>
    %dma_start3A_671 = tpu.memref_slice %arg3[%dma_start3A_668, %mul3A_2] : memref<8x1024xf32, #tpu.memory_space<hbm>> -> memref<1x32xf32, #tpu.memory_space<hbm>>
    %dma_start3A_672 = tpu.memref_squeeze %dma_start3A_671 : memref<1x32xf32, #tpu.memory_space<hbm>> -> memref<32xf32, #tpu.memory_space<hbm>>
    %dma_start3A_673 = tpu.memref_slice %arg3[%dma_start3A_668, %mul3A_2] : memref<8x1024xf32, #tpu.memory_space<hbm>> -> memref<1x32xf32, #tpu.memory_space<hbm>>
    %dma_start3A_674 = tpu.memref_squeeze %dma_start3A_673 : memref<1x32xf32, #tpu.memory_space<hbm>> -> memref<32xf32, #tpu.memory_space<hbm>>
    %dma_start3A_675 = arith.constant 224 : i32
    %dma_start3A_676 = tpu.memref_slice %arg5[%dma_start3A_675] : memref<256xf32, #tpu.memory_space<vmem>> -> memref<32xf32, #tpu.memory_space<vmem>>
    tpu.enqueue_dma source(%dma_start3A_676 : memref<32xf32, #tpu.memory_space<vmem>>) target(%dma_start3A_674 : memref<32xf32, #tpu.memory_space<hbm>>) target_semaphore(%arg6 : memref<!tpu.dma_semaphore, #tpu.memory_space<semaphore_mem>>)
    %dma_wait3A_677 = arith.constant 0 : i32
    %dma_wait3A_678 = arith.constant 0 : i32
    %dma_wait3A_679 = tpu.memref_slice %arg5[%dma_wait3A_678] : memref<256xf32, #tpu.memory_space<vmem>> -> memref<32xf32, #tpu.memory_space<vmem>>
    %dma_wait3A_680 = tpu.memref_slice %arg3[%dma_wait3A_677, %mul3A_2] : memref<8x1024xf32, #tpu.memory_space<hbm>> -> memref<1x32xf32, #tpu.memory_space<hbm>>
    %dma_wait3A_681 = tpu.memref_squeeze %dma_wait3A_680 : memref<1x32xf32, #tpu.memory_space<hbm>> -> memref<32xf32, #tpu.memory_space<hbm>>
    %dma_wait3A_682 = tpu.memref_slice %arg3[%dma_wait3A_677, %mul3A_2] : memref<8x1024xf32, #tpu.memory_space<hbm>> -> memref<1x32xf32, #tpu.memory_space<hbm>>
    %dma_wait3A_683 = tpu.memref_squeeze %dma_wait3A_682 : memref<1x32xf32, #tpu.memory_space<hbm>> -> memref<32xf32, #tpu.memory_space<hbm>>
    %dma_wait3A_684 = arith.constant 0 : i32
    %dma_wait3A_685 = tpu.memref_slice %arg5[%dma_wait3A_684] : memref<256xf32, #tpu.memory_space<vmem>> -> memref<32xf32, #tpu.memory_space<vmem>>
    tpu.wait_dma2 semaphore(%arg6 : memref<!tpu.dma_semaphore, #tpu.memory_space<semaphore_mem>>) src(%dma_wait3A_685 : memref<32xf32, #tpu.memory_space<vmem>>) dst(%dma_wait3A_683 : memref<32xf32, #tpu.memory_space<hbm>>)
    %dma_wait3A_686 = arith.constant 1 : i32
    %dma_wait3A_687 = arith.constant 32 : i32
    %dma_wait3A_688 = tpu.memref_slice %arg5[%dma_wait3A_687] : memref<256xf32, #tpu.memory_space<vmem>> -> memref<32xf32, #tpu.memory_space<vmem>>
    %dma_wait3A_689 = tpu.memref_slice %arg3[%dma_wait3A_686, %mul3A_2] : memref<8x1024xf32, #tpu.memory_space<hbm>> -> memref<1x32xf32, #tpu.memory_space<hbm>>
    %dma_wait3A_690 = tpu.memref_squeeze %dma_wait3A_689 : memref<1x32xf32, #tpu.memory_space<hbm>> -> memref<32xf32, #tpu.memory_space<hbm>>
    %dma_wait3A_691 = tpu.memref_slice %arg3[%dma_wait3A_686, %mul3A_2] : memref<8x1024xf32, #tpu.memory_space<hbm>> -> memref<1x32xf32, #tpu.memory_space<hbm>>
    %dma_wait3A_692 = tpu.memref_squeeze %dma_wait3A_691 : memref<1x32xf32, #tpu.memory_space<hbm>> -> memref<32xf32, #tpu.memory_space<hbm>>
    %dma_wait3A_693 = arith.constant 32 : i32
    %dma_wait3A_694 = tpu.memref_slice %arg5[%dma_wait3A_693] : memref<256xf32, #tpu.memory_space<vmem>> -> memref<32xf32, #tpu.memory_space<vmem>>
    tpu.wait_dma2 semaphore(%arg6 : memref<!tpu.dma_semaphore, #tpu.memory_space<semaphore_mem>>) src(%dma_wait3A_694 : memref<32xf32, #tpu.memory_space<vmem>>) dst(%dma_wait3A_692 : memref<32xf32, #tpu.memory_space<hbm>>)
    %dma_wait3A_695 = arith.constant 2 : i32
    %dma_wait3A_696 = arith.constant 64 : i32
    %dma_wait3A_697 = tpu.memref_slice %arg5[%dma_wait3A_696] : memref<256xf32, #tpu.memory_space<vmem>> -> memref<32xf32, #tpu.memory_space<vmem>>
    %dma_wait3A_698 = tpu.memref_slice %arg3[%dma_wait3A_695, %mul3A_2] : memref<8x1024xf32, #tpu.memory_space<hbm>> -> memref<1x32xf32, #tpu.memory_space<hbm>>
    %dma_wait3A_699 = tpu.memref_squeeze %dma_wait3A_698 : memref<1x32xf32, #tpu.memory_space<hbm>> -> memref<32xf32, #tpu.memory_space<hbm>>
    %dma_wait3A_700 = tpu.memref_slice %arg3[%dma_wait3A_695, %mul3A_2] : memref<8x1024xf32, #tpu.memory_space<hbm>> -> memref<1x32xf32, #tpu.memory_space<hbm>>
    %dma_wait3A_701 = tpu.memref_squeeze %dma_wait3A_700 : memref<1x32xf32, #tpu.memory_space<hbm>> -> memref<32xf32, #tpu.memory_space<hbm>>
    %dma_wait3A_702 = arith.constant 64 : i32
    %dma_wait3A_703 = tpu.memref_slice %arg5[%dma_wait3A_702] : memref<256xf32, #tpu.memory_space<vmem>> -> memref<32xf32, #tpu.memory_space<vmem>>
    tpu.wait_dma2 semaphore(%arg6 : memref<!tpu.dma_semaphore, #tpu.memory_space<semaphore_mem>>) src(%dma_wait3A_703 : memref<32xf32, #tpu.memory_space<vmem>>) dst(%dma_wait3A_701 : memref<32xf32, #tpu.memory_space<hbm>>)
    %dma_wait3A_704 = arith.constant 3 : i32
    %dma_wait3A_705 = arith.constant 96 : i32
    %dma_wait3A_706 = tpu.memref_slice %arg5[%dma_wait3A_705] : memref<256xf32, #tpu.memory_space<vmem>> -> memref<32xf32, #tpu.memory_space<vmem>>
    %dma_wait3A_707 = tpu.memref_slice %arg3[%dma_wait3A_704, %mul3A_2] : memref<8x1024xf32, #tpu.memory_space<hbm>> -> memref<1x32xf32, #tpu.memory_space<hbm>>
    %dma_wait3A_708 = tpu.memref_squeeze %dma_wait3A_707 : memref<1x32xf32, #tpu.memory_space<hbm>> -> memref<32xf32, #tpu.memory_space<hbm>>
    %dma_wait3A_709 = tpu.memref_slice %arg3[%dma_wait3A_704, %mul3A_2] : memref<8x1024xf32, #tpu.memory_space<hbm>> -> memref<1x32xf32, #tpu.memory_space<hbm>>
    %dma_wait3A_710 = tpu.memref_squeeze %dma_wait3A_709 : memref<1x32xf32, #tpu.memory_space<hbm>> -> memref<32xf32, #tpu.memory_space<hbm>>
    %dma_wait3A_711 = arith.constant 96 : i32
    %dma_wait3A_712 = tpu.memref_slice %arg5[%dma_wait3A_711] : memref<256xf32, #tpu.memory_space<vmem>> -> memref<32xf32, #tpu.memory_space<vmem>>
    tpu.wait_dma2 semaphore(%arg6 : memref<!tpu.dma_semaphore, #tpu.memory_space<semaphore_mem>>) src(%dma_wait3A_712 : memref<32xf32, #tpu.memory_space<vmem>>) dst(%dma_wait3A_710 : memref<32xf32, #tpu.memory_space<hbm>>)
    %dma_wait3A_713 = arith.constant 4 : i32
    %dma_wait3A_714 = arith.constant 128 : i32
    %dma_wait3A_715 = tpu.memref_slice %arg5[%dma_wait3A_714] : memref<256xf32, #tpu.memory_space<vmem>> -> memref<32xf32, #tpu.memory_space<vmem>>
    %dma_wait3A_716 = tpu.memref_slice %arg3[%dma_wait3A_713, %mul3A_2] : memref<8x1024xf32, #tpu.memory_space<hbm>> -> memref<1x32xf32, #tpu.memory_space<hbm>>
    %dma_wait3A_717 = tpu.memref_squeeze %dma_wait3A_716 : memref<1x32xf32, #tpu.memory_space<hbm>> -> memref<32xf32, #tpu.memory_space<hbm>>
    %dma_wait3A_718 = tpu.memref_slice %arg3[%dma_wait3A_713, %mul3A_2] : memref<8x1024xf32, #tpu.memory_space<hbm>> -> memref<1x32xf32, #tpu.memory_space<hbm>>
    %dma_wait3A_719 = tpu.memref_squeeze %dma_wait3A_718 : memref<1x32xf32, #tpu.memory_space<hbm>> -> memref<32xf32, #tpu.memory_space<hbm>>
    %dma_wait3A_720 = arith.constant 128 : i32
    %dma_wait3A_721 = tpu.memref_slice %arg5[%dma_wait3A_720] : memref<256xf32, #tpu.memory_space<vmem>> -> memref<32xf32, #tpu.memory_space<vmem>>
    tpu.wait_dma2 semaphore(%arg6 : memref<!tpu.dma_semaphore, #tpu.memory_space<semaphore_mem>>) src(%dma_wait3A_721 : memref<32xf32, #tpu.memory_space<vmem>>) dst(%dma_wait3A_719 : memref<32xf32, #tpu.memory_space<hbm>>)
    %dma_wait3A_722 = arith.constant 5 : i32
    %dma_wait3A_723 = arith.constant 160 : i32
    %dma_wait3A_724 = tpu.memref_slice %arg5[%dma_wait3A_723] : memref<256xf32, #tpu.memory_space<vmem>> -> memref<32xf32, #tpu.memory_space<vmem>>
    %dma_wait3A_725 = tpu.memref_slice %arg3[%dma_wait3A_722, %mul3A_2] : memref<8x1024xf32, #tpu.memory_space<hbm>> -> memref<1x32xf32, #tpu.memory_space<hbm>>
    %dma_wait3A_726 = tpu.memref_squeeze %dma_wait3A_725 : memref<1x32xf32, #tpu.memory_space<hbm>> -> memref<32xf32, #tpu.memory_space<hbm>>
    %dma_wait3A_727 = tpu.memref_slice %arg3[%dma_wait3A_722, %mul3A_2] : memref<8x1024xf32, #tpu.memory_space<hbm>> -> memref<1x32xf32, #tpu.memory_space<hbm>>
    %dma_wait3A_728 = tpu.memref_squeeze %dma_wait3A_727 : memref<1x32xf32, #tpu.memory_space<hbm>> -> memref<32xf32, #tpu.memory_space<hbm>>
    %dma_wait3A_729 = arith.constant 160 : i32
    %dma_wait3A_730 = tpu.memref_slice %arg5[%dma_wait3A_729] : memref<256xf32, #tpu.memory_space<vmem>> -> memref<32xf32, #tpu.memory_space<vmem>>
    tpu.wait_dma2 semaphore(%arg6 : memref<!tpu.dma_semaphore, #tpu.memory_space<semaphore_mem>>) src(%dma_wait3A_730 : memref<32xf32, #tpu.memory_space<vmem>>) dst(%dma_wait3A_728 : memref<32xf32, #tpu.memory_space<hbm>>)
    %dma_wait3A_731 = arith.constant 6 : i32
    %dma_wait3A_732 = arith.constant 192 : i32
    %dma_wait3A_733 = tpu.memref_slice %arg5[%dma_wait3A_732] : memref<256xf32, #tpu.memory_space<vmem>> -> memref<32xf32, #tpu.memory_space<vmem>>
    %dma_wait3A_734 = tpu.memref_slice %arg3[%dma_wait3A_731, %mul3A_2] : memref<8x1024xf32, #tpu.memory_space<hbm>> -> memref<1x32xf32, #tpu.memory_space<hbm>>
    %dma_wait3A_735 = tpu.memref_squeeze %dma_wait3A_734 : memref<1x32xf32, #tpu.memory_space<hbm>> -> memref<32xf32, #tpu.memory_space<hbm>>
    %dma_wait3A_736 = tpu.memref_slice %arg3[%dma_wait3A_731, %mul3A_2] : memref<8x1024xf32, #tpu.memory_space<hbm>> -> memref<1x32xf32, #tpu.memory_space<hbm>>
    %dma_wait3A_737 = tpu.memref_squeeze %dma_wait3A_736 : memref<1x32xf32, #tpu.memory_space<hbm>> -> memref<32xf32, #tpu.memory_space<hbm>>
    %dma_wait3A_738 = arith.constant 192 : i32
    %dma_wait3A_739 = tpu.memref_slice %arg5[%dma_wait3A_738] : memref<256xf32, #tpu.memory_space<vmem>> -> memref<32xf32, #tpu.memory_space<vmem>>
    tpu.wait_dma2 semaphore(%arg6 : memref<!tpu.dma_semaphore, #tpu.memory_space<semaphore_mem>>) src(%dma_wait3A_739 : memref<32xf32, #tpu.memory_space<vmem>>) dst(%dma_wait3A_737 : memref<32xf32, #tpu.memory_space<hbm>>)
    %dma_wait3A_740 = arith.constant 7 : i32
    %dma_wait3A_741 = arith.constant 224 : i32
    %dma_wait3A_742 = tpu.memref_slice %arg5[%dma_wait3A_741] : memref<256xf32, #tpu.memory_space<vmem>> -> memref<32xf32, #tpu.memory_space<vmem>>
    %dma_wait3A_743 = tpu.memref_slice %arg3[%dma_wait3A_740, %mul3A_2] : memref<8x1024xf32, #tpu.memory_space<hbm>> -> memref<1x32xf32, #tpu.memory_space<hbm>>
    %dma_wait3A_744 = tpu.memref_squeeze %dma_wait3A_743 : memref<1x32xf32, #tpu.memory_space<hbm>> -> memref<32xf32, #tpu.memory_space<hbm>>
    %dma_wait3A_745 = tpu.memref_slice %arg3[%dma_wait3A_740, %mul3A_2] : memref<8x1024xf32, #tpu.memory_space<hbm>> -> memref<1x32xf32, #tpu.memory_space<hbm>>
    %dma_wait3A_746 = tpu.memref_squeeze %dma_wait3A_745 : memref<1x32xf32, #tpu.memory_space<hbm>> -> memref<32xf32, #tpu.memory_space<hbm>>
    %dma_wait3A_747 = arith.constant 224 : i32
    %dma_wait3A_748 = tpu.memref_slice %arg5[%dma_wait3A_747] : memref<256xf32, #tpu.memory_space<vmem>> -> memref<32xf32, #tpu.memory_space<vmem>>
    tpu.wait_dma2 semaphore(%arg6 : memref<!tpu.dma_semaphore, #tpu.memory_space<semaphore_mem>>) src(%dma_wait3A_748 : memref<32xf32, #tpu.memory_space<vmem>>) dst(%dma_wait3A_746 : memref<32xf32, #tpu.memory_space<hbm>>)
    return
  }
}

module attributes {stable_mosaic.version = 14 : i64} {
  func.func @_logits_body(%arg0: i32, %arg1: memref<256x2048xf32, #tpu.memory_space<vmem>>, %arg2: memref<1x2048xf32, #tpu.memory_space<vmem>>, %arg3: memref<8x2048xf32, #tpu.memory_space<vmem>>, %arg4: memref<256x2048xbf16, #tpu.memory_space<vmem>>, %arg5: memref<8x256xf32, #tpu.memory_space<vmem>>) attributes {dimension_semantics = [#tpu.dimension_semantics<arbitrary>], iteration_bounds = array<i64: 4>, scalar_prefetch = 0 : i64, scratch_operands = 0 : i64, tpu.core_type = #tpu.core_type<tc>, window_params = [{transform_indices = @transform_0, window_bounds = array<i64: 256, 2048>}, {pipeline_mode = #tpu.pipeline_mode<synchronous>, transform_indices = @transform_1, window_bounds = array<i64: 1, 2048>}, {pipeline_mode = #tpu.pipeline_mode<synchronous>, transform_indices = @transform_2, window_bounds = array<i64: 8, 2048>}, {transform_indices = @transform_3, window_bounds = array<i64: 256, 2048>}, {transform_indices = @transform_4, window_bounds = array<i64: 8, 256>}]} {
    %get3A = arith.constant 0 : index
    %get3A_0 = arith.constant 0 : index
    %get3A_1 = vector.load %arg3[%get3A, %get3A_0] : memref<8x2048xf32, #tpu.memory_space<vmem>>, vector<8x2048xf32>
    %mul3A = arith.mulf %get3A_1, %get3A_1 : vector<8x2048xf32>
    %reduce_sum3A = arith.constant dense<0.000000e+00> : vector<8xf32>
    %reduce_sum3A_2 = vector.multi_reduction <add>, %mul3A, %reduce_sum3A [1] : vector<8x2048xf32> to vector<8xf32>
    %broadcast_in_dim3A = vector.shape_cast %reduce_sum3A_2 : vector<8xf32> to vector<8x1xf32>
    %sqrt3A = math.sqrt %broadcast_in_dim3A : vector<8x1xf32>
    %max3A = arith.constant 9.99999974E-5 : f32
    %max3A_3 = vector.broadcast %max3A : f32 to vector<8x1xf32>
    %max3A_4 = arith.maximumf %sqrt3A, %max3A_3 : vector<8x1xf32>
    %div3A = vector.broadcast %max3A_4 : vector<8x1xf32> to vector<8x2048xf32>
    %div3A_5 = arith.divf %get3A_1, %div3A : vector<8x2048xf32>
    %get3A_6 = arith.constant 0 : index
    %get3A_7 = arith.constant 0 : index
    %get3A_8 = vector.load %arg1[%get3A_6, %get3A_7] : memref<256x2048xf32, #tpu.memory_space<vmem>>, vector<256x2048xf32>
    %mul3A_9 = arith.mulf %get3A_8, %get3A_8 : vector<256x2048xf32>
    %reduce_sum3A_10 = arith.constant dense<0.000000e+00> : vector<256xf32>
    %reduce_sum3A_11 = vector.multi_reduction <add>, %mul3A_9, %reduce_sum3A_10 [1] : vector<256x2048xf32> to vector<256xf32>
    %broadcast_in_dim3A_12 = vector.shape_cast %reduce_sum3A_11 : vector<256xf32> to vector<256x1xf32>
    %div3A_13 = arith.constant 2.048000e+03 : f32
    %div3A_14 = vector.broadcast %div3A_13 : f32 to vector<256x1xf32>
    %div3A_15 = arith.divf %broadcast_in_dim3A_12, %div3A_14 : vector<256x1xf32>
    %add3A = arith.constant 9.99999974E-6 : f32
    %add3A_16 = vector.broadcast %add3A : f32 to vector<256x1xf32>
    %add3A_17 = arith.addf %div3A_15, %add3A_16 : vector<256x1xf32>
    %rsqrt3A = math.rsqrt %add3A_17 : vector<256x1xf32>
    %mul3A_18 = vector.broadcast %rsqrt3A : vector<256x1xf32> to vector<256x2048xf32>
    %mul3A_19 = arith.mulf %get3A_8, %mul3A_18 : vector<256x2048xf32>
    %get3A_20 = arith.constant 0 : index
    %get3A_21 = arith.constant 0 : index
    %get3A_22 = vector.load %arg2[%get3A_20, %get3A_21] : memref<1x2048xf32, #tpu.memory_space<vmem>>, vector<1x2048xf32>
    %mul3A_23 = vector.broadcast %get3A_22 : vector<1x2048xf32> to vector<256x2048xf32>
    %mul3A_24 = arith.mulf %mul3A_19, %mul3A_23 : vector<256x2048xf32>
    %convert_element_type3A = arith.truncf %mul3A_24 : vector<256x2048xf32> to vector<256x2048xbf16>
    %swap3A = arith.constant 0 : index
    %swap3A_25 = arith.constant 0 : index
    %swap3A_26 = vector.load %arg4[%swap3A, %swap3A_25] : memref<256x2048xbf16, #tpu.memory_space<vmem>>, vector<256x2048xbf16>
    tpu.vector_store %arg4[%swap3A, %swap3A_25], %convert_element_type3A {strides = array<i32>} : memref<256x2048xbf16, #tpu.memory_space<vmem>>, vector<256x2048xbf16>,
    %mul3A_27 = arith.mulf %mul3A_24, %mul3A_24 : vector<256x2048xf32>
    %reduce_sum3A_28 = arith.constant dense<0.000000e+00> : vector<256xf32>
    %reduce_sum3A_29 = vector.multi_reduction <add>, %mul3A_27, %reduce_sum3A_28 [1] : vector<256x2048xf32> to vector<256xf32>
    %broadcast_in_dim3A_30 = vector.shape_cast %reduce_sum3A_29 : vector<256xf32> to vector<256x1xf32>
    %sqrt3A_31 = math.sqrt %broadcast_in_dim3A_30 : vector<256x1xf32>
    %max3A_32 = arith.constant 9.99999974E-5 : f32
    %max3A_33 = vector.broadcast %max3A_32 : f32 to vector<256x1xf32>
    %max3A_34 = arith.maximumf %sqrt3A_31, %max3A_33 : vector<256x1xf32>
    %div3A_35 = vector.broadcast %max3A_34 : vector<256x1xf32> to vector<256x2048xf32>
    %div3A_36 = arith.divf %mul3A_24, %div3A_35 : vector<256x2048xf32>
    %dot_general3A = arith.constant dense<0.000000e+00> : vector<8x256xf32>
    %dot_general3A_37 = tpu.matmul %div3A_5, %div3A_36, %dot_general3A {dimension_numbers = #tpu.dot_dimension_numbers<[1], [1], [0], [0], [0, 0, 1, 0], [], []>, transpose_lhs_hint = false} : vector<8x2048xf32>, vector<256x2048xf32>, vector<8x256xf32> -> vector<8x256xf32>
    %mul3A_38 = arith.constant 1.200000e+01 : f32
    %mul3A_39 = vector.broadcast %mul3A_38 : f32 to vector<8x256xf32>
    %mul3A_40 = arith.mulf %dot_general3A_37, %mul3A_39 : vector<8x256xf32>
    %swap3A_41 = arith.constant 0 : index
    %swap3A_42 = arith.constant 0 : index
    %swap3A_43 = vector.load %arg5[%swap3A_41, %swap3A_42] : memref<8x256xf32, #tpu.memory_space<vmem>>, vector<8x256xf32>
    tpu.vector_store %arg5[%swap3A_41, %swap3A_42], %mul3A_40 {strides = array<i32>} : memref<8x256xf32, #tpu.memory_space<vmem>>, vector<8x256xf32>,
    return
  }
  func.func @transform_0(%arg0: i32) -> (i32, i32) {
    %c0_i32 = arith.constant 0 : i32
    %c0_i32_0 = arith.constant 0 : i32
    return %arg0, %c0_i32 : i32, i32
  }
  func.func @transform_1(%arg0: i32) -> (i32, i32) {
    %c0_i32 = arith.constant 0 : i32
    %c0_i32_0 = arith.constant 0 : i32
    %c0_i32_1 = arith.constant 0 : i32
    return %c0_i32, %c0_i32_0 : i32, i32
  }
  func.func @transform_2(%arg0: i32) -> (i32, i32) {
    %c0_i32 = arith.constant 0 : i32
    %c0_i32_0 = arith.constant 0 : i32
    %c0_i32_1 = arith.constant 0 : i32
    return %c0_i32, %c0_i32_0 : i32, i32
  }
  func.func @transform_3(%arg0: i32) -> (i32, i32) {
    %c0_i32 = arith.constant 0 : i32
    %c0_i32_0 = arith.constant 0 : i32
    return %arg0, %c0_i32 : i32, i32
  }
  func.func @transform_4(%arg0: i32) -> (i32, i32) {
    %c0_i32 = arith.constant 0 : i32
    %c0_i32_0 = arith.constant 0 : i32
    return %c0_i32, %arg0 : i32, i32
  }
}

module attributes {stable_mosaic.version = 14 : i64} {
  func.func @_main_body(%arg0: i32, %arg1: i32, %arg2: memref<1024x2048xbf16, #tpu.memory_space<vmem>>, %arg3: memref<8x1024xf32, #tpu.memory_space<vmem>>, %arg4: memref<1024x2048xf32, #tpu.memory_space<vmem>>, %arg5: memref<2048x512xf32, #tpu.memory_space<vmem>>, %arg6: memref<1x512x2048xf32, #tpu.memory_space<vmem>>, %arg7: memref<1x2048x512xf32, #tpu.memory_space<vmem>>, %arg8: memref<1x2048xf32, #tpu.memory_space<vmem>>, %arg9: memref<1024x2048xf32, #tpu.memory_space<vmem>>, %arg10: memref<1024x8xf32, #tpu.memory_space<vmem>>, %arg11: memref<1024x512xf32, #tpu.memory_space<vmem>>) attributes {dimension_semantics = [#tpu.dimension_semantics<arbitrary>, #tpu.dimension_semantics<arbitrary>], iteration_bounds = array<i64: 8, 2>, scalar_prefetch = 0 : i64, scratch_operands = 2 : i64, tpu.core_type = #tpu.core_type<tc>, window_params = [{pipeline_mode = #tpu.pipeline_mode<synchronous>, transform_indices = @transform_0, window_bounds = array<i64: 1024, 2048>}, {pipeline_mode = #tpu.pipeline_mode<synchronous>, transform_indices = @transform_1, window_bounds = array<i64: 8, 1024>}, {pipeline_mode = #tpu.pipeline_mode<synchronous>, transform_indices = @transform_2, window_bounds = array<i64: 1024, 2048>}, {pipeline_mode = #tpu.pipeline_mode<synchronous>, transform_indices = @transform_3, window_bounds = array<i64: 2048, 512>}, {transform_indices = @transform_4, window_bounds = array<i64: 1, 512, 2048>}, {transform_indices = @transform_5, window_bounds = array<i64: 1, 2048, 512>}, {pipeline_mode = #tpu.pipeline_mode<synchronous>, transform_indices = @transform_6, window_bounds = array<i64: 1, 2048>}, {pipeline_mode = #tpu.pipeline_mode<synchronous>, transform_indices = @transform_7, window_bounds = array<i64: 1024, 2048>}]} {
    %eq3A = arith.constant 0 : i32
    %eq3A_0 = arith.cmpi eq, %arg0, %eq3A : i32
    %eq3A_1 = arith.constant 0 : i32
    %eq3A_2 = arith.cmpi eq, %arg1, %eq3A_1 : i32
    %and3A = arith.andi %eq3A_0, %eq3A_2 : i1
    %convert_element_type3A = arith.extui %and3A : i1 to i32
    %cond3A = arith.constant 0 : i32
    %cond3A_3 = arith.cmpi ne, %convert_element_type3A, %cond3A : i32
    scf.if %cond3A_3 {
      %get3A = arith.constant 0 : index
      %get3A_14 = arith.constant 0 : index
      %get3A_15 = vector.load %arg3[%get3A, %get3A_14] : memref<8x1024xf32, #tpu.memory_space<vmem>>, vector<8x1024xf32>
      %transpose3A = tpu.transpose %get3A_15, [1, 0] : vector<8x1024xf32> -> vector<1024x8xf32>
      %swap3A = arith.constant 0 : index
      %swap3A_16 = arith.constant 0 : index
      %swap3A_17 = vector.load %arg10[%swap3A, %swap3A_16] : memref<1024x8xf32, #tpu.memory_space<vmem>>, vector<1024x8xf32>
      tpu.vector_store %arg10[%swap3A, %swap3A_16], %transpose3A {strides = array<i32>} : memref<1024x8xf32, #tpu.memory_space<vmem>>, vector<1024x8xf32>,
      %get3A_18 = arith.constant 0 : index
      %get3A_19 = arith.constant 0 : index
      %get3A_20 = vector.load %arg2[%get3A_18, %get3A_19] : memref<1024x2048xbf16, #tpu.memory_space<vmem>>, vector<1024x2048xbf16>
      %get3A_21 = arith.constant 0 : index
      %get3A_22 = arith.constant 0 : index
      %get3A_23 = vector.load %arg4[%get3A_21, %get3A_22] : memref<1024x2048xf32, #tpu.memory_space<vmem>>, vector<512x2048xf32>
      %convert_element_type3A_24 = arith.truncf %get3A_23 : vector<512x2048xf32> to vector<512x2048xbf16>
      %dot_general3A = arith.constant dense<0.000000e+00> : vector<1024x512xf32>
      %dot_general3A_25 = tpu.matmul %get3A_20, %convert_element_type3A_24, %dot_general3A {dimension_numbers = #tpu.dot_dimension_numbers<[1], [1], [0], [0], [0, 0, 1, 0], [], []>, transpose_lhs_hint = false} : vector<1024x2048xbf16>, vector<512x2048xbf16>, vector<1024x512xf32> -> vector<1024x512xf32>
      %get3A_26 = arith.constant 512 : index
      %get3A_27 = arith.constant 0 : index
      %get3A_28 = vector.load %arg4[%get3A_26, %get3A_27] : memref<1024x2048xf32, #tpu.memory_space<vmem>>, vector<512x2048xf32>
      %convert_element_type3A_29 = arith.truncf %get3A_28 : vector<512x2048xf32> to vector<512x2048xbf16>
      %dot_general3A_30 = arith.constant dense<0.000000e+00> : vector<1024x512xf32>
      %dot_general3A_31 = tpu.matmul %get3A_20, %convert_element_type3A_29, %dot_general3A_30 {dimension_numbers = #tpu.dot_dimension_numbers<[1], [1], [0], [0], [0, 0, 1, 0], [], []>, transpose_lhs_hint = false} : vector<1024x2048xbf16>, vector<512x2048xbf16>, vector<1024x512xf32> -> vector<1024x512xf32>
      %logistic3A = arith.negf %dot_general3A_25 : vector<1024x512xf32>
      %logistic3A_32 = math.exp %logistic3A : vector<1024x512xf32>
      %logistic3A_33 = arith.constant 1.000000e+00 : f32
      %logistic3A_34 = vector.broadcast %logistic3A_33 : f32 to vector<1024x512xf32>
      %logistic3A_35 = arith.addf %logistic3A_34, %logistic3A_32 : vector<1024x512xf32>
      %logistic3A_36 = arith.divf %logistic3A_34, %logistic3A_35 : vector<1024x512xf32>
      %mul3A = arith.mulf %dot_general3A_25, %logistic3A_36 : vector<1024x512xf32>
      %mul3A_37 = arith.mulf %mul3A, %dot_general3A_31 : vector<1024x512xf32>
      %convert_element_type3A_38 = arith.truncf %mul3A_37 : vector<1024x512xf32> to vector<1024x512xbf16>
      %get3A_39 = arith.constant 0 : index
      %get3A_40 = arith.constant 0 : index
      %get3A_41 = vector.load %arg5[%get3A_39, %get3A_40] : memref<2048x512xf32, #tpu.memory_space<vmem>>, vector<512x512xf32>
      %convert_element_type3A_42 = arith.truncf %get3A_41 : vector<512x512xf32> to vector<512x512xbf16>
      %dot_general3A_43 = arith.constant dense<0.000000e+00> : vector<1024x512xf32>
      %dot_general3A_44 = tpu.matmul %convert_element_type3A_38, %convert_element_type3A_42, %dot_general3A_43 {dimension_numbers = #tpu.dot_dimension_numbers<[1], [1], [0], [0], [0, 0, 1, 0], [], []>, transpose_lhs_hint = false} : vector<1024x512xbf16>, vector<512x512xbf16>, vector<1024x512xf32> -> vector<1024x512xf32>
      %swap3A_45 = arith.constant 0 : index
      %swap3A_46 = arith.constant 0 : index
      %swap3A_47 = vector.load %arg9[%swap3A_45, %swap3A_46] : memref<1024x2048xf32, #tpu.memory_space<vmem>>, vector<1024x512xf32>
      tpu.vector_store %arg9[%swap3A_45, %swap3A_46], %dot_general3A_44 {strides = array<i32>} : memref<1024x2048xf32, #tpu.memory_space<vmem>>, vector<1024x512xf32>,
      %get3A_48 = arith.constant 512 : index
      %get3A_49 = arith.constant 0 : index
      %get3A_50 = vector.load %arg5[%get3A_48, %get3A_49] : memref<2048x512xf32, #tpu.memory_space<vmem>>, vector<512x512xf32>
      %convert_element_type3A_51 = arith.truncf %get3A_50 : vector<512x512xf32> to vector<512x512xbf16>
      %dot_general3A_52 = arith.constant dense<0.000000e+00> : vector<1024x512xf32>
      %dot_general3A_53 = tpu.matmul %convert_element_type3A_38, %convert_element_type3A_51, %dot_general3A_52 {dimension_numbers = #tpu.dot_dimension_numbers<[1], [1], [0], [0], [0, 0, 1, 0], [], []>, transpose_lhs_hint = false} : vector<1024x512xbf16>, vector<512x512xbf16>, vector<1024x512xf32> -> vector<1024x512xf32>
      %swap3A_54 = arith.constant 0 : index
      %swap3A_55 = arith.constant 512 : index
      %swap3A_56 = vector.load %arg9[%swap3A_54, %swap3A_55] : memref<1024x2048xf32, #tpu.memory_space<vmem>>, vector<1024x512xf32>
      tpu.vector_store %arg9[%swap3A_54, %swap3A_55], %dot_general3A_53 {strides = array<i32>} : memref<1024x2048xf32, #tpu.memory_space<vmem>>, vector<1024x512xf32>,
      %get3A_57 = arith.constant 1024 : index
      %get3A_58 = arith.constant 0 : index
      %get3A_59 = vector.load %arg5[%get3A_57, %get3A_58] : memref<2048x512xf32, #tpu.memory_space<vmem>>, vector<512x512xf32>
      %convert_element_type3A_60 = arith.truncf %get3A_59 : vector<512x512xf32> to vector<512x512xbf16>
      %dot_general3A_61 = arith.constant dense<0.000000e+00> : vector<1024x512xf32>
      %dot_general3A_62 = tpu.matmul %convert_element_type3A_38, %convert_element_type3A_60, %dot_general3A_61 {dimension_numbers = #tpu.dot_dimension_numbers<[1], [1], [0], [0], [0, 0, 1, 0], [], []>, transpose_lhs_hint = false} : vector<1024x512xbf16>, vector<512x512xbf16>, vector<1024x512xf32> -> vector<1024x512xf32>
      %swap3A_63 = arith.constant 0 : index
      %swap3A_64 = arith.constant 1024 : index
      %swap3A_65 = vector.load %arg9[%swap3A_63, %swap3A_64] : memref<1024x2048xf32, #tpu.memory_space<vmem>>, vector<1024x512xf32>
      tpu.vector_store %arg9[%swap3A_63, %swap3A_64], %dot_general3A_62 {strides = array<i32>} : memref<1024x2048xf32, #tpu.memory_space<vmem>>, vector<1024x512xf32>,
      %get3A_66 = arith.constant 1536 : index
      %get3A_67 = arith.constant 0 : index
      %get3A_68 = vector.load %arg5[%get3A_66, %get3A_67] : memref<2048x512xf32, #tpu.memory_space<vmem>>, vector<512x512xf32>
      %convert_element_type3A_69 = arith.truncf %get3A_68 : vector<512x512xf32> to vector<512x512xbf16>
      %dot_general3A_70 = arith.constant dense<0.000000e+00> : vector<1024x512xf32>
      %dot_general3A_71 = tpu.matmul %convert_element_type3A_38, %convert_element_type3A_69, %dot_general3A_70 {dimension_numbers = #tpu.dot_dimension_numbers<[1], [1], [0], [0], [0, 0, 1, 0], [], []>, transpose_lhs_hint = false} : vector<1024x512xbf16>, vector<512x512xbf16>, vector<1024x512xf32> -> vector<1024x512xf32>
      %swap3A_72 = arith.constant 0 : index
      %swap3A_73 = arith.constant 1536 : index
      %swap3A_74 = vector.load %arg9[%swap3A_72, %swap3A_73] : memref<1024x2048xf32, #tpu.memory_space<vmem>>, vector<1024x512xf32>
      tpu.vector_store %arg9[%swap3A_72, %swap3A_73], %dot_general3A_71 {strides = array<i32>} : memref<1024x2048xf32, #tpu.memory_space<vmem>>, vector<1024x512xf32>,
    } else {
    }
    %eq3A_4 = arith.constant 0 : i32
    %eq3A_5 = arith.cmpi eq, %arg1, %eq3A_4 : i32
    %convert_element_type3A_6 = arith.extui %eq3A_5 : i1 to i32
    %cond3A_7 = arith.constant 0 : i32
    %cond3A_8 = arith.cmpi ne, %convert_element_type3A_6, %cond3A_7 : i32
    scf.if %cond3A_8 {
      %get3A = arith.constant 0 : index
      %get3A_14 = arith.constant 0 : index
      %get3A_15 = vector.load %arg2[%get3A, %get3A_14] : memref<1024x2048xbf16, #tpu.memory_space<vmem>>, vector<1024x2048xbf16>
      %get3A_16 = arith.constant 0 : index
      %get3A_17 = arith.constant 0 : index
      %get3A_18 = arith.constant 0 : index
      %get3A_19 = vector.load %arg6[%get3A_16, %get3A_17, %get3A_18] : memref<1x512x2048xf32, #tpu.memory_space<vmem>>, vector<1x512x2048xf32>
      %get3A_20 = vector.shape_cast %get3A_19 : vector<1x512x2048xf32> to vector<512x2048xf32>
      %convert_element_type3A_21 = arith.truncf %get3A_20 : vector<512x2048xf32> to vector<512x2048xbf16>
      %dot_general3A = arith.constant dense<0.000000e+00> : vector<1024x512xf32>
      %dot_general3A_22 = tpu.matmul %get3A_15, %convert_element_type3A_21, %dot_general3A {dimension_numbers = #tpu.dot_dimension_numbers<[1], [1], [0], [0], [0, 0, 1, 0], [], []>, transpose_lhs_hint = false} : vector<1024x2048xbf16>, vector<512x2048xbf16>, vector<1024x512xf32> -> vector<1024x512xf32>
      %swap3A = arith.constant 0 : index
      %swap3A_23 = arith.constant 0 : index
      %swap3A_24 = vector.load %arg11[%swap3A, %swap3A_23] : memref<1024x512xf32, #tpu.memory_space<vmem>>, vector<1024x512xf32>
      tpu.vector_store %arg11[%swap3A, %swap3A_23], %dot_general3A_22 {strides = array<i32>} : memref<1024x512xf32, #tpu.memory_space<vmem>>, vector<1024x512xf32>,
    } else {
    }
    %eq3A_9 = arith.constant 1 : i32
    %eq3A_10 = arith.cmpi eq, %arg1, %eq3A_9 : i32
    %convert_element_type3A_11 = arith.extui %eq3A_10 : i1 to i32
    %cond3A_12 = arith.constant 0 : i32
    %cond3A_13 = arith.cmpi ne, %convert_element_type3A_11, %cond3A_12 : i32
    scf.if %cond3A_13 {
      %get3A = arith.constant 0 : index
      %get3A_14 = arith.constant 0 : index
      %get3A_15 = vector.load %arg2[%get3A, %get3A_14] : memref<1024x2048xbf16, #tpu.memory_space<vmem>>, vector<1024x2048xbf16>
      %get3A_16 = arith.constant 0 : index
      %get3A_17 = arith.constant 0 : index
      %get3A_18 = arith.constant 0 : index
      %get3A_19 = vector.load %arg6[%get3A_16, %get3A_17, %get3A_18] : memref<1x512x2048xf32, #tpu.memory_space<vmem>>, vector<1x512x2048xf32>
      %get3A_20 = vector.shape_cast %get3A_19 : vector<1x512x2048xf32> to vector<512x2048xf32>
      %convert_element_type3A_21 = arith.truncf %get3A_20 : vector<512x2048xf32> to vector<512x2048xbf16>
      %dot_general3A = arith.constant dense<0.000000e+00> : vector<1024x512xf32>
      %dot_general3A_22 = tpu.matmul %get3A_15, %convert_element_type3A_21, %dot_general3A {dimension_numbers = #tpu.dot_dimension_numbers<[1], [1], [0], [0], [0, 0, 1, 0], [], []>, transpose_lhs_hint = false} : vector<1024x2048xbf16>, vector<512x2048xbf16>, vector<1024x512xf32> -> vector<1024x512xf32>
      %iota3A = tpu.iota {dimensions = array<i32: 1>} : vector<1024x8xi32>
      %eq3A_23 = vector.broadcast %arg0 : i32 to vector<1024x8xi32>
      %eq3A_24 = arith.cmpi eq, %iota3A, %eq3A_23 : vector<1024x8xi32>
      %get3A_25 = arith.constant 0 : index
      %get3A_26 = arith.constant 0 : index
      %get3A_27 = vector.load %arg10[%get3A_25, %get3A_26] : memref<1024x8xf32, #tpu.memory_space<vmem>>, vector<1024x8xf32>
      %jit3A = arith.constant 0.000000e+00 : f32
      %broadcast_in_dim3A = vector.broadcast %jit3A : f32 to vector<1024x8xf32>
      %select_n3A = arith.select %eq3A_24, %get3A_27, %broadcast_in_dim3A : vector<1024x8xi1>, vector<1024x8xf32>
      %reduce_sum3A = arith.constant dense<0.000000e+00> : vector<1024xf32>
      %reduce_sum3A_28 = vector.multi_reduction <add>, %select_n3A, %reduce_sum3A [1] : vector<1024x8xf32> to vector<1024xf32>
      %broadcast_in_dim3A_29 = vector.shape_cast %reduce_sum3A_28 : vector<1024xf32> to vector<1024x1xf32>
      %get3A_30 = arith.constant 0 : index
      %get3A_31 = arith.constant 0 : index
      %get3A_32 = vector.load %arg11[%get3A_30, %get3A_31] : memref<1024x512xf32, #tpu.memory_space<vmem>>, vector<1024x512xf32>
      %logistic3A = arith.negf %get3A_32 : vector<1024x512xf32>
      %logistic3A_33 = math.exp %logistic3A : vector<1024x512xf32>
      %logistic3A_34 = arith.constant 1.000000e+00 : f32
      %logistic3A_35 = vector.broadcast %logistic3A_34 : f32 to vector<1024x512xf32>
      %logistic3A_36 = arith.addf %logistic3A_35, %logistic3A_33 : vector<1024x512xf32>
      %logistic3A_37 = arith.divf %logistic3A_35, %logistic3A_36 : vector<1024x512xf32>
      %mul3A = arith.mulf %get3A_32, %logistic3A_37 : vector<1024x512xf32>
      %mul3A_38 = arith.mulf %mul3A, %dot_general3A_22 : vector<1024x512xf32>
      %mul3A_39 = vector.broadcast %broadcast_in_dim3A_29 : vector<1024x1xf32> to vector<1024x512xf32>
      %mul3A_40 = arith.mulf %mul3A_38, %mul3A_39 : vector<1024x512xf32>
      %convert_element_type3A_41 = arith.truncf %mul3A_40 : vector<1024x512xf32> to vector<1024x512xbf16>
      %get3A_42 = arith.constant 0 : index
      %get3A_43 = arith.constant 0 : index
      %get3A_44 = arith.constant 0 : index
      %get3A_45 = vector.load %arg7[%get3A_42, %get3A_43, %get3A_44] : memref<1x2048x512xf32, #tpu.memory_space<vmem>>, vector<1x512x512xf32>
      %get3A_46 = vector.shape_cast %get3A_45 : vector<1x512x512xf32> to vector<512x512xf32>
      %convert_element_type3A_47 = arith.truncf %get3A_46 : vector<512x512xf32> to vector<512x512xbf16>
      %get3A_48 = arith.constant 0 : index
      %get3A_49 = arith.constant 0 : index
      %get3A_50 = vector.load %arg9[%get3A_48, %get3A_49] : memref<1024x2048xf32, #tpu.memory_space<vmem>>, vector<1024x512xf32>
      %dot_general3A_51 = arith.constant dense<0.000000e+00> : vector<1024x512xf32>
      %dot_general3A_52 = tpu.matmul %convert_element_type3A_41, %convert_element_type3A_47, %dot_general3A_51 {dimension_numbers = #tpu.dot_dimension_numbers<[1], [1], [0], [0], [0, 0, 1, 0], [], []>, transpose_lhs_hint = false} : vector<1024x512xbf16>, vector<512x512xbf16>, vector<1024x512xf32> -> vector<1024x512xf32>
      %add3A = arith.addf %get3A_50, %dot_general3A_52 : vector<1024x512xf32>
      %swap3A = arith.constant 0 : index
      %swap3A_53 = arith.constant 0 : index
      %swap3A_54 = vector.load %arg9[%swap3A, %swap3A_53] : memref<1024x2048xf32, #tpu.memory_space<vmem>>, vector<1024x512xf32>
      tpu.vector_store %arg9[%swap3A, %swap3A_53], %add3A {strides = array<i32>} : memref<1024x2048xf32, #tpu.memory_space<vmem>>, vector<1024x512xf32>,
      %get3A_55 = arith.constant 0 : index
      %get3A_56 = arith.constant 512 : index
      %get3A_57 = arith.constant 0 : index
      %get3A_58 = vector.load %arg7[%get3A_55, %get3A_56, %get3A_57] : memref<1x2048x512xf32, #tpu.memory_space<vmem>>, vector<1x512x512xf32>
      %get3A_59 = vector.shape_cast %get3A_58 : vector<1x512x512xf32> to vector<512x512xf32>
      %convert_element_type3A_60 = arith.truncf %get3A_59 : vector<512x512xf32> to vector<512x512xbf16>
      %get3A_61 = arith.constant 0 : index
      %get3A_62 = arith.constant 512 : index
      %get3A_63 = vector.load %arg9[%get3A_61, %get3A_62] : memref<1024x2048xf32, #tpu.memory_space<vmem>>, vector<1024x512xf32>
      %dot_general3A_64 = arith.constant dense<0.000000e+00> : vector<1024x512xf32>
      %dot_general3A_65 = tpu.matmul %convert_element_type3A_41, %convert_element_type3A_60, %dot_general3A_64 {dimension_numbers = #tpu.dot_dimension_numbers<[1], [1], [0], [0], [0, 0, 1, 0], [], []>, transpose_lhs_hint = false} : vector<1024x512xbf16>, vector<512x512xbf16>, vector<1024x512xf32> -> vector<1024x512xf32>
      %add3A_66 = arith.addf %get3A_63, %dot_general3A_65 : vector<1024x512xf32>
      %swap3A_67 = arith.constant 0 : index
      %swap3A_68 = arith.constant 512 : index
      %swap3A_69 = vector.load %arg9[%swap3A_67, %swap3A_68] : memref<1024x2048xf32, #tpu.memory_space<vmem>>, vector<1024x512xf32>
      tpu.vector_store %arg9[%swap3A_67, %swap3A_68], %add3A_66 {strides = array<i32>} : memref<1024x2048xf32, #tpu.memory_space<vmem>>, vector<1024x512xf32>,
      %get3A_70 = arith.constant 0 : index
      %get3A_71 = arith.constant 1024 : index
      %get3A_72 = arith.constant 0 : index
      %get3A_73 = vector.load %arg7[%get3A_70, %get3A_71, %get3A_72] : memref<1x2048x512xf32, #tpu.memory_space<vmem>>, vector<1x512x512xf32>
      %get3A_74 = vector.shape_cast %get3A_73 : vector<1x512x512xf32> to vector<512x512xf32>
      %convert_element_type3A_75 = arith.truncf %get3A_74 : vector<512x512xf32> to vector<512x512xbf16>
      %get3A_76 = arith.constant 0 : index
      %get3A_77 = arith.constant 1024 : index
      %get3A_78 = vector.load %arg9[%get3A_76, %get3A_77] : memref<1024x2048xf32, #tpu.memory_space<vmem>>, vector<1024x512xf32>
      %dot_general3A_79 = arith.constant dense<0.000000e+00> : vector<1024x512xf32>
      %dot_general3A_80 = tpu.matmul %convert_element_type3A_41, %convert_element_type3A_75, %dot_general3A_79 {dimension_numbers = #tpu.dot_dimension_numbers<[1], [1], [0], [0], [0, 0, 1, 0], [], []>, transpose_lhs_hint = false} : vector<1024x512xbf16>, vector<512x512xbf16>, vector<1024x512xf32> -> vector<1024x512xf32>
      %add3A_81 = arith.addf %get3A_78, %dot_general3A_80 : vector<1024x512xf32>
      %swap3A_82 = arith.constant 0 : index
      %swap3A_83 = arith.constant 1024 : index
      %swap3A_84 = vector.load %arg9[%swap3A_82, %swap3A_83] : memref<1024x2048xf32, #tpu.memory_space<vmem>>, vector<1024x512xf32>
      tpu.vector_store %arg9[%swap3A_82, %swap3A_83], %add3A_81 {strides = array<i32>} : memref<1024x2048xf32, #tpu.memory_space<vmem>>, vector<1024x512xf32>,
      %get3A_85 = arith.constant 0 : index
      %get3A_86 = arith.constant 1536 : index
      %get3A_87 = arith.constant 0 : index
      %get3A_88 = vector.load %arg7[%get3A_85, %get3A_86, %get3A_87] : memref<1x2048x512xf32, #tpu.memory_space<vmem>>, vector<1x512x512xf32>
      %get3A_89 = vector.shape_cast %get3A_88 : vector<1x512x512xf32> to vector<512x512xf32>
      %convert_element_type3A_90 = arith.truncf %get3A_89 : vector<512x512xf32> to vector<512x512xbf16>
      %get3A_91 = arith.constant 0 : index
      %get3A_92 = arith.constant 1536 : index
      %get3A_93 = vector.load %arg9[%get3A_91, %get3A_92] : memref<1024x2048xf32, #tpu.memory_space<vmem>>, vector<1024x512xf32>
      %dot_general3A_94 = arith.constant dense<0.000000e+00> : vector<1024x512xf32>
      %dot_general3A_95 = tpu.matmul %convert_element_type3A_41, %convert_element_type3A_90, %dot_general3A_94 {dimension_numbers = #tpu.dot_dimension_numbers<[1], [1], [0], [0], [0, 0, 1, 0], [], []>, transpose_lhs_hint = false} : vector<1024x512xbf16>, vector<512x512xbf16>, vector<1024x512xf32> -> vector<1024x512xf32>
      %add3A_96 = arith.addf %get3A_93, %dot_general3A_95 : vector<1024x512xf32>
      %swap3A_97 = arith.constant 0 : index
      %swap3A_98 = arith.constant 1536 : index
      %swap3A_99 = vector.load %arg9[%swap3A_97, %swap3A_98] : memref<1024x2048xf32, #tpu.memory_space<vmem>>, vector<1024x512xf32>
      tpu.vector_store %arg9[%swap3A_97, %swap3A_98], %add3A_96 {strides = array<i32>} : memref<1024x2048xf32, #tpu.memory_space<vmem>>, vector<1024x512xf32>,
      %eq3A_100 = arith.constant 7 : i32
      %eq3A_101 = arith.cmpi eq, %arg0, %eq3A_100 : i32
      %convert_element_type3A_102 = arith.extui %eq3A_101 : i1 to i32
      %cond3A_103 = arith.constant 0 : i32
      %cond3A_104 = arith.cmpi ne, %convert_element_type3A_102, %cond3A_103 : i32
      scf.if %cond3A_104 {
        %get3A_105 = arith.constant 0 : index
        %get3A_106 = arith.constant 0 : index
        %get3A_107 = vector.load %arg8[%get3A_105, %get3A_106] : memref<1x2048xf32, #tpu.memory_space<vmem>>, vector<1x2048xf32>
        %get3A_108 = arith.constant 0 : index
        %get3A_109 = arith.constant 0 : index
        %get3A_110 = vector.load %arg9[%get3A_108, %get3A_109] : memref<1024x2048xf32, #tpu.memory_space<vmem>>, vector<256x2048xf32>
        %mul3A_111 = arith.mulf %get3A_110, %get3A_110 : vector<256x2048xf32>
        %reduce_sum3A_112 = arith.constant dense<0.000000e+00> : vector<256xf32>
        %reduce_sum3A_113 = vector.multi_reduction <add>, %mul3A_111, %reduce_sum3A_112 [1] : vector<256x2048xf32> to vector<256xf32>
        %broadcast_in_dim3A_114 = vector.shape_cast %reduce_sum3A_113 : vector<256xf32> to vector<256x1xf32>
        %div3A = arith.constant 2.048000e+03 : f32
        %div3A_115 = vector.broadcast %div3A : f32 to vector<256x1xf32>
        %div3A_116 = arith.divf %broadcast_in_dim3A_114, %div3A_115 : vector<256x1xf32>
        %add3A_117 = arith.constant 9.99999974E-6 : f32
        %add3A_118 = vector.broadcast %add3A_117 : f32 to vector<256x1xf32>
        %add3A_119 = arith.addf %div3A_116, %add3A_118 : vector<256x1xf32>
        %rsqrt3A = math.rsqrt %add3A_119 : vector<256x1xf32>
        %mul3A_120 = vector.broadcast %rsqrt3A : vector<256x1xf32> to vector<256x2048xf32>
        %mul3A_121 = arith.mulf %get3A_110, %mul3A_120 : vector<256x2048xf32>
        %mul3A_122 = vector.broadcast %get3A_107 : vector<1x2048xf32> to vector<256x2048xf32>
        %mul3A_123 = arith.mulf %mul3A_121, %mul3A_122 : vector<256x2048xf32>
        %swap3A_124 = arith.constant 0 : index
        %swap3A_125 = arith.constant 0 : index
        %swap3A_126 = vector.load %arg9[%swap3A_124, %swap3A_125] : memref<1024x2048xf32, #tpu.memory_space<vmem>>, vector<256x2048xf32>
        tpu.vector_store %arg9[%swap3A_124, %swap3A_125], %mul3A_123 {strides = array<i32>} : memref<1024x2048xf32, #tpu.memory_space<vmem>>, vector<256x2048xf32>,
        %get3A_127 = arith.constant 256 : index
        %get3A_128 = arith.constant 0 : index
        %get3A_129 = vector.load %arg9[%get3A_127, %get3A_128] : memref<1024x2048xf32, #tpu.memory_space<vmem>>, vector<256x2048xf32>
        %mul3A_130 = arith.mulf %get3A_129, %get3A_129 : vector<256x2048xf32>
        %reduce_sum3A_131 = arith.constant dense<0.000000e+00> : vector<256xf32>
        %reduce_sum3A_132 = vector.multi_reduction <add>, %mul3A_130, %reduce_sum3A_131 [1] : vector<256x2048xf32> to vector<256xf32>
        %broadcast_in_dim3A_133 = vector.shape_cast %reduce_sum3A_132 : vector<256xf32> to vector<256x1xf32>
        %div3A_134 = arith.constant 2.048000e+03 : f32
        %div3A_135 = vector.broadcast %div3A_134 : f32 to vector<256x1xf32>
        %div3A_136 = arith.divf %broadcast_in_dim3A_133, %div3A_135 : vector<256x1xf32>
        %add3A_137 = arith.constant 9.99999974E-6 : f32
        %add3A_138 = vector.broadcast %add3A_137 : f32 to vector<256x1xf32>
        %add3A_139 = arith.addf %div3A_136, %add3A_138 : vector<256x1xf32>
        %rsqrt3A_140 = math.rsqrt %add3A_139 : vector<256x1xf32>
        %mul3A_141 = vector.broadcast %rsqrt3A_140 : vector<256x1xf32> to vector<256x2048xf32>
        %mul3A_142 = arith.mulf %get3A_129, %mul3A_141 : vector<256x2048xf32>
        %mul3A_143 = vector.broadcast %get3A_107 : vector<1x2048xf32> to vector<256x2048xf32>
        %mul3A_144 = arith.mulf %mul3A_142, %mul3A_143 : vector<256x2048xf32>
        %swap3A_145 = arith.constant 256 : index
        %swap3A_146 = arith.constant 0 : index
        %swap3A_147 = vector.load %arg9[%swap3A_145, %swap3A_146] : memref<1024x2048xf32, #tpu.memory_space<vmem>>, vector<256x2048xf32>
        tpu.vector_store %arg9[%swap3A_145, %swap3A_146], %mul3A_144 {strides = array<i32>} : memref<1024x2048xf32, #tpu.memory_space<vmem>>, vector<256x2048xf32>,
        %get3A_148 = arith.constant 512 : index
        %get3A_149 = arith.constant 0 : index
        %get3A_150 = vector.load %arg9[%get3A_148, %get3A_149] : memref<1024x2048xf32, #tpu.memory_space<vmem>>, vector<256x2048xf32>
        %mul3A_151 = arith.mulf %get3A_150, %get3A_150 : vector<256x2048xf32>
        %reduce_sum3A_152 = arith.constant dense<0.000000e+00> : vector<256xf32>
        %reduce_sum3A_153 = vector.multi_reduction <add>, %mul3A_151, %reduce_sum3A_152 [1] : vector<256x2048xf32> to vector<256xf32>
        %broadcast_in_dim3A_154 = vector.shape_cast %reduce_sum3A_153 : vector<256xf32> to vector<256x1xf32>
        %div3A_155 = arith.constant 2.048000e+03 : f32
        %div3A_156 = vector.broadcast %div3A_155 : f32 to vector<256x1xf32>
        %div3A_157 = arith.divf %broadcast_in_dim3A_154, %div3A_156 : vector<256x1xf32>
        %add3A_158 = arith.constant 9.99999974E-6 : f32
        %add3A_159 = vector.broadcast %add3A_158 : f32 to vector<256x1xf32>
        %add3A_160 = arith.addf %div3A_157, %add3A_159 : vector<256x1xf32>
        %rsqrt3A_161 = math.rsqrt %add3A_160 : vector<256x1xf32>
        %mul3A_162 = vector.broadcast %rsqrt3A_161 : vector<256x1xf32> to vector<256x2048xf32>
        %mul3A_163 = arith.mulf %get3A_150, %mul3A_162 : vector<256x2048xf32>
        %mul3A_164 = vector.broadcast %get3A_107 : vector<1x2048xf32> to vector<256x2048xf32>
        %mul3A_165 = arith.mulf %mul3A_163, %mul3A_164 : vector<256x2048xf32>
        %swap3A_166 = arith.constant 512 : index
        %swap3A_167 = arith.constant 0 : index
        %swap3A_168 = vector.load %arg9[%swap3A_166, %swap3A_167] : memref<1024x2048xf32, #tpu.memory_space<vmem>>, vector<256x2048xf32>
        tpu.vector_store %arg9[%swap3A_166, %swap3A_167], %mul3A_165 {strides = array<i32>} : memref<1024x2048xf32, #tpu.memory_space<vmem>>, vector<256x2048xf32>,
        %get3A_169 = arith.constant 768 : index
        %get3A_170 = arith.constant 0 : index
        %get3A_171 = vector.load %arg9[%get3A_169, %get3A_170] : memref<1024x2048xf32, #tpu.memory_space<vmem>>, vector<256x2048xf32>
        %mul3A_172 = arith.mulf %get3A_171, %get3A_171 : vector<256x2048xf32>
        %reduce_sum3A_173 = arith.constant dense<0.000000e+00> : vector<256xf32>
        %reduce_sum3A_174 = vector.multi_reduction <add>, %mul3A_172, %reduce_sum3A_173 [1] : vector<256x2048xf32> to vector<256xf32>
        %broadcast_in_dim3A_175 = vector.shape_cast %reduce_sum3A_174 : vector<256xf32> to vector<256x1xf32>
        %div3A_176 = arith.constant 2.048000e+03 : f32
        %div3A_177 = vector.broadcast %div3A_176 : f32 to vector<256x1xf32>
        %div3A_178 = arith.divf %broadcast_in_dim3A_175, %div3A_177 : vector<256x1xf32>
        %add3A_179 = arith.constant 9.99999974E-6 : f32
        %add3A_180 = vector.broadcast %add3A_179 : f32 to vector<256x1xf32>
        %add3A_181 = arith.addf %div3A_178, %add3A_180 : vector<256x1xf32>
        %rsqrt3A_182 = math.rsqrt %add3A_181 : vector<256x1xf32>
        %mul3A_183 = vector.broadcast %rsqrt3A_182 : vector<256x1xf32> to vector<256x2048xf32>
        %mul3A_184 = arith.mulf %get3A_171, %mul3A_183 : vector<256x2048xf32>
        %mul3A_185 = vector.broadcast %get3A_107 : vector<1x2048xf32> to vector<256x2048xf32>
        %mul3A_186 = arith.mulf %mul3A_184, %mul3A_185 : vector<256x2048xf32>
        %swap3A_187 = arith.constant 768 : index
        %swap3A_188 = arith.constant 0 : index
        %swap3A_189 = vector.load %arg9[%swap3A_187, %swap3A_188] : memref<1024x2048xf32, #tpu.memory_space<vmem>>, vector<256x2048xf32>
        tpu.vector_store %arg9[%swap3A_187, %swap3A_188], %mul3A_186 {strides = array<i32>} : memref<1024x2048xf32, #tpu.memory_space<vmem>>, vector<256x2048xf32>,
      } else {
      }
    } else {
    }
    return
  }
  func.func @transform_0(%arg0: i32, %arg1: i32) -> (i32, i32) {
    %c0_i32 = arith.constant 0 : i32
    %c0_i32_0 = arith.constant 0 : i32
    %c0_i32_1 = arith.constant 0 : i32
    return %c0_i32, %c0_i32_0 : i32, i32
  }
  func.func @transform_1(%arg0: i32, %arg1: i32) -> (i32, i32) {
    %c0_i32 = arith.constant 0 : i32
    %c0_i32_0 = arith.constant 0 : i32
    %c0_i32_1 = arith.constant 0 : i32
    return %c0_i32, %c0_i32_0 : i32, i32
  }
  func.func @transform_2(%arg0: i32, %arg1: i32) -> (i32, i32) {
    %c0_i32 = arith.constant 0 : i32
    %c0_i32_0 = arith.constant 0 : i32
    %c0_i32_1 = arith.constant 0 : i32
    return %c0_i32, %c0_i32_0 : i32, i32
  }
  func.func @transform_3(%arg0: i32, %arg1: i32) -> (i32, i32) {
    %c0_i32 = arith.constant 0 : i32
    %c0_i32_0 = arith.constant 0 : i32
    %c0_i32_1 = arith.constant 0 : i32
    return %c0_i32, %c0_i32_0 : i32, i32
  }
  func.func @transform_4(%arg0: i32, %arg1: i32) -> (i32, i32, i32) {
    %c0_i32 = arith.constant 0 : i32
    %c0_i32_0 = arith.constant 0 : i32
    return %arg0, %arg1, %c0_i32 : i32, i32, i32
  }
  func.func @transform_5(%arg0: i32, %arg1: i32) -> (i32, i32, i32) {
    %c0_i32 = arith.constant 0 : i32
    %c0_i32_0 = arith.constant 0 : i32
    %c0_i32_1 = arith.constant 0 : i32
    return %arg0, %c0_i32, %c0_i32_0 : i32, i32, i32
  }
  func.func @transform_6(%arg0: i32, %arg1: i32) -> (i32, i32) {
    %c0_i32 = arith.constant 0 : i32
    %c0_i32_0 = arith.constant 0 : i32
    %c0_i32_1 = arith.constant 0 : i32
    return %c0_i32, %c0_i32_0 : i32, i32
  }
  func.func @transform_7(%arg0: i32, %arg1: i32) -> (i32, i32) {
    %c0_i32 = arith.constant 0 : i32
    %c0_i32_0 = arith.constant 0 : i32
    %c0_i32_1 = arith.constant 0 : i32
    return %c0_i32, %c0_i32_0 : i32, i32
  }
}

</mosaic_0001>

<sc_bundles>
// kernel: kernel.5.cloned.1.call-start
scs
__scs_entry_jumppad:
0x0: {  	(pc) =	sbr.rel $0x88, $3  }
0x1: {  	(tag) =	ssettag $0x0;
	lr =	simm.s32 $0x1  }
0x2: {  	[smem:$0x3F99] =	sst lr;
	_ =	strace $0xD0000000  }
0x3: {  	_ = 	snop  }
0x4: {  	_ = 	snop  }
0x5: {  	_ = 	snop  }
0x6: {  	_ = 	snop  }
0x7: {  	_ = 	snop  }
__scs_overlays_trampoline_lowered:
0x8: {  	[smem:$0x3FA8] =	sst s0  }
0x9: {  	[smem:$0x3FA9] =	sst s1  }
0xa: {  	[smem:$0x3FAA] =	sst s2  }
0xb: {  	[smem:$0x3FAB] =	sst s3  }
0xc: {  	[smem:$0x3FAC] =	sst s4  }
0xd: {  	[smem:$0x3FAD] =	sst s5  }
0xe: {  	[smem:$0x3FAE] =	sst s6  }
0xf: {  	[smem:$0x3FAF] =	sst s7  }
0x10: {  	[smem:$0x3FB0] =	sst s8  }
0x11: {  	[smem:$0x3FB1] =	sst s9;
	s0 =	simm.s32 @!p0 $0x0  }
0x12: {  	s1 =	sld [smem:$0x3F97];
	s0 =	simm.s32 @p0 $0x1  }
0x13: {  	[smem:$0x3FB2] =	sst s0;
	s0 =	simm.s32 @!p1 $0x0  }
0x14: {  	s2 =	sld [smem:$0x3F96];
	s0 =	simm.s32 @p1 $0x1  }
0x15: {  	[smem:$0x3FB3] =	sst s0;
	s0 =	simm.s32 @!p2 $0x0  }
0x16: {  	s3 =	sld [smem:$0x3FDB];
	s0 =	simm.s32 @p2 $0x1  }
0x17: {  	s4 =	simm.s32 $0x1BF5;
	[smem:$0x3FB5] =	sst s0  }
0x18: {  	s0 =	sld [smem:$0x3F98];
	_ =	swait.ge [sflag:s4], $0x0  }
0x19: {  	s7 =	sld [smem:$0x3F99]  }
0x1a: {  	s8 =	sadd.s32 $0xFFFFE003, lr  }
0x1b: {  	s9 =	sadd.s32 $0xFFFFFEF7, lr;
	s5 =	simm.s32 $0xFFFFFFFF;
	p2 =	slt.u32 s8, $0xFFFFF086  }
0x1c: {  	p1 =	slt.u32 s9, $0xF7A;
	s5 =	simm.s32 @!p2 $0x0  }
0x1d: {  	s5 =	simm.s32 @p1 $0x1;
	p0 =	seq.s32 s7, s2  }
0x1e: {  	s7 =	smul.u32 @!p0 $0xF7A, s2;
	p2 =	seq.s32 @!p0 s5, $0x0  }
0x1f: {  	s9 =	smul.u32 $0xF7A, s1;
	s8 =	simm.s32 @!p0 $0x1BF5;
	p2 =	por !p2, p0  }
0x20: {  	[sflag:s8] =	ssyncset.s32 @!p0 $0xFFFFF086;
	s6 =	sadd.s32 @!p0 s3, s7;
	s7 =	simm.s32 @!p0 $0x108  }
0x21: {  	s3 =	sadd.s32 s3, s9;
	s6 =	sadd.s32 @!p0 $0x88, s6;
	s7 =	simm.s32 @p2 $0x1082  }
0x22: {  	[simem:s7], [sflag:s8] =	dma.local @!p0 [hbm:s6], $0xF7A  }
0x23: {  	s9 =	sor.u32 $0xD0000000, s2;
	s6 =	simm.s32 $0x108;
	_ =	swait.ge @!p0 [sflag:s8], $0x0  }
0x24: {  	s3 =	sadd.s32 $0x88, s3;
	s6 =	simm.s32 @!p1 $0x1082;
	[sflag:s4] =	ssyncset.s32 $0xFFFFF086  }
0x25: {  	[simem:s6], [sflag:s4] =	dma.local [hbm:s3], $0xF7A  }
0x26: {  	[smem:$0x3F99] =	sst s1;
	(tag) =	ssettag s2;
	_ =	strace s9  }
0x27: {  	s1 =	sld [smem:$0x3FA9]  }
0x28: {  	s2 =	sld [smem:$0x3FAA]  }
0x29: {  	s4 =	sld [smem:$0x3FAC]  }
0x2a: {  	p0 =	seq.s32 s5, $0x0;
	s5 =	sld [smem:$0x3FAD]  }
0x2b: {  	s6 =	sld [smem:$0x3FAE]  }
0x2c: {  	s7 =	sld [smem:$0x3FAF]  }
0x2d: {  	s3 =	simm.s32 $0x108;
	s8 =	sld [smem:$0x3FB0]  }
0x2e: {  	s3 =	simm.s32 @!p0 $0x1082;
	s9 =	sld [smem:$0x3FB1]  }
0x2f: {  	lr =	sadd.s32 s0, s3;
	s0 =	sld [smem:$0x3FA8]  }
0x30: {  	s3 =	sld [smem:$0x3FAB]  }
0x31: {  	[smem:$0x3FB4] =	sst s10  }
0x32: {  	s10 =	sld [smem:$0x3FB2];
	_ =	sdelay $0x3  }
0x33: {  	p0 =	seq.s32 s10, $0x1;
	s10 =	sld [smem:$0x3FB4];
	_ =	sdelay $0x3  }
0x34: {  	[smem:$0x3FB4] =	sst s10  }
0x35: {  	s10 =	sld [smem:$0x3FB3];
	_ =	sdelay $0x3  }
0x36: {  	p1 =	seq.s32 s10, $0x1;
	s10 =	sld [smem:$0x3FB4];
	_ =	sdelay $0x3  }
0x37: {  	[smem:$0x3FB4] =	sst s10  }
0x38: {  	s10 =	sld [smem:$0x3FB5]  }
0x39: {  	_ = 	snop;
	(pc) =	sbr.ind lr, $3  }
0x3a: {  	_ = 	snop  }
0x3b: {  	_ = 	snop  }
0x3c: {  	p2 =	seq.s32 s10, $0x1;
	s10 =	sld [smem:$0x3FB4]  }
0x3d: {  	_ =	shalt  }
0x3e: {  	_ =	shalt  }
0x3f: {  	_ =	shalt  }
0x40: {  	_ =	shalt  }
0x41: {  	_ =	shalt  }
0x42: {  	_ =	shalt  }
0x43: {  	_ =	shalt  }
0x44: {  	_ =	shalt  }
0x45: {  	_ =	shalt  }
0x46: {  	_ =	shalt  }
0x47: {  	_ =	shalt  }
0x48: {  	_ =	shalt  }
0x49: {  	_ =	shalt  }
0x4a: {  	_ =	shalt  }
0x4b: {  	_ =	shalt  }
0x4c: {  	_ =	shalt  }
0x4d: {  	_ =	shalt  }
0x4e: {  	_ =	shalt  }
0x4f: {  	_ =	shalt  }
0x50: {  	_ =	shalt  }
0x51: {  	_ =	shalt  }
0x52: {  	_ =	shalt  }
0x53: {  	_ =	shalt  }
0x54: {  	_ =	shalt  }
0x55: {  	_ =	shalt  }
0x56: {  	_ =	shalt  }
0x57: {  	_ =	shalt  }
0x58: {  	_ =	shalt  }
0x59: {  	_ =	shalt  }
0x5a: {  	_ =	shalt  }
0x5b: {  	_ =	shalt  }
0x5c: {  	_ =	shalt  }
0x5d: {  	_ =	shalt  }
0x5e: {  	_ =	shalt  }
0x5f: {  	_ =	shalt  }
0x60: {  	_ =	shalt  }
0x61: {  	_ =	shalt  }
0x62: {  	_ =	shalt  }
0x63: {  	_ =	shalt  }
0x64: {  	_ =	shalt  }
0x65: {  	_ =	shalt  }
0x66: {  	_ =	shalt  }
0x67: {  	_ =	shalt  }
0x68: {  	_ =	shalt  }
0x69: {  	_ =	shalt  }
0x6a: {  	_ =	shalt  }
0x6b: {  	_ =	shalt  }
0x6c: {  	_ =	shalt  }
0x6d: {  	_ =	shalt  }
0x6e: {  	_ =	shalt  }
0x6f: {  	_ =	shalt  }
0x70: {  	_ =	shalt  }
0x71: {  	_ =	shalt  }
0x72: {  	_ =	shalt  }
0x73: {  	_ =	shalt  }
0x74: {  	_ =	shalt  }
0x75: {  	_ =	shalt  }
0x76: {  	_ =	shalt  }
0x77: {  	_ =	shalt  }
0x78: {  	_ =	shalt  }
0x79: {  	_ =	shalt  }
0x7a: {  	_ =	shalt  }
0x7b: {  	_ =	shalt  }
0x7c: {  	_ =	shalt  }
0x7d: {  	_ =	shalt  }
0x7e: {  	_ =	shalt  }
0x7f: {  	_ =	shalt  }
0x80: {  	_ =	shalt  }
0x81: {  	_ =	shalt  }
0x82: {  	_ =	shalt  }
0x83: {  	_ =	shalt  }
0x84: {  	_ =	shalt  }
0x85: {  	_ =	shalt  }
0x86: {  	_ =	shalt  }
0x87: {  	_ =	shalt  }
.Lfunc_end0:
.L_simem_size_0:
called_computation_lowered:
.L_overlay_start_0:
0x88: {  	s2 =	sld [smem:$0x3FD9]  }
0x89: {  	s3 =	sld [smem:$0x3FFE];
	_ =	sdelay $0x1  }
0x8a: {  	s1 =	srdreg.scid  }
0x8b: {  	s0 =	sand.u32 $0x1, s1  }
0x8c: {  	s17 =	sshll.u32 s0, $0xA;
	s2 =	sadd.s32 s3, s2  }
0x8d: {  	s2 =	sadd.s32 s2, s17  }
0x8e: {  	[smem:$0x3FC0] =	sst s2  }
0x8f: {  	_ = 	snop  }
0x90: {  	s2 =	sld [smem:$0x3FD0];
	(tm) =	ssettm $0x1  }
0x91: {  	s18 =	sld [smem:$0x3FFB];
	_ =	sdelay $0x3  }
0x92: {  	_ =	strace s18  }
0x93: {  	s3 =	sld [smem:$0x3FFC];
	_ =	sdelay $0x3  }
0x94: {  	_ =	strace s3  }
0x95: {  	s3 =	sld [smem:$0x3FFD];
	_ =	sdelay $0x3  }
0x96: {  	_ =	strace s3  }
0x97: {  	_ =	strace $0x8FFFFFFF  }
0x98: {  	s19 =	sld [smem:$0x3FDB];
	_ =	sdelay $0x1  }
0x99: {  	s4 =	simm.s32 $_scs_section_size  }
0x9a: {  	s5 =	simm.s32 $_size__tile_overlayer_lowered;
	s6 =	simm.s32 $_tile_overlayer_lowered  }
0x9b: {  	s22 =	simm.s32 $0x1BFF;
	s21 =	sshll.u32 s6, $0x1;
	s3 =	sadd.s32 s4, s19  }
0x9c: {  	s7 =	simm.s32 $0x0;
	s20 =	sshll.u32 s5, $0x1;
	s5 =	sadd.s32 s21, s3  }
0x9d: {  	[timem:s7], [sflag:s22] =	dma.local [hbm:s5], s20  }
0x9e: {  	_ =	swait.ge [sflag:s22], s20  }
0x9f: {  	s4 =	ssub.s32 $0x0, s20;
	[sflag:s22] =	ssyncset.done $0x0  }
0xa0: {  	[sflag:s22] =	ssyncadd.s32 s4;
	_ =	sdelay $0x1  }
0xa1: {  	s23 =	simm.s32 $0x1B8B  }
0xa2: {  	_ =	swait.ge [sflag:s23], $0x1  }
0xa3: {  	[sflag:s23] =	ssyncset.done $0x0  }
0xa4: {  	s25 =	simm.s32 $0x1B8E;
	s24 =	sld [smem:$0x3FFE];
	[sflag:s23] =	ssyncadd.s32 $0xFFFFFFFF  }
0xa5: {  	s26 =	simm.s32 $execute0_lowered;
	[smem:$0x3FD2] =	sst s25  }
0xa6: {  	s5 =	sshll.u32 s26, $0x1;
	_ =	strace $0x80000046;
	[dreg:$0x1] =	wrdreg $0xFFFFFFFF  }
0xa7: {  	s28 =	simm.s32 $_size_execute0_lowered;
	s3 =	sadd.s32 s3, s5;
	[dreg:$0x0] =	wrdreg $0x0  }
0xa8: {  	s5 =	sshll.u32 s28, $0x1;
	[dreg:$0x2] =	wrdreg s3  }
0xa9: {  	[dreg:$0x3] =	wrdreg s5  }
0xaa: {  	[dreg:$0x4] =	wrdreg $0xC0  }
0xab: {  	_ =	task [dreg:s7], $0x5FFFF  }
0xac: {  	[dreg:$0x1] =	wrdreg $0xFFFFFFFF  }
0xad: {  	[dreg:$0x0] =	wrdreg $0x60  }
0xae: {  	[dreg:$0x2] =	wrdreg s2  }
0xaf: {  	[dreg:$0x3] =	wrdreg s24  }
0xb0: {  	[dreg:$0x4] =	wrdreg $0x9  }
0xb1: {  	_ =	task.clear_ibuf [dreg:s7], $0x5FFFF;
	_ =	strace $0x90000046  }
0xb2: {  	s29 =	simm.s32 $0x9;
	_ =	strace $0x80000048  }
0xb3: {  	_ =	swait.ge [sflag:s29], $0x1  }
0xb4: {  	[sflag:s29] =	ssyncadd.s32 $0xFFFFFFFF  }
0xb5: {  	_ =	strace $0x90000048  }
0xb6: {  	_ =	sfence  }
0xb7: {  	s30 =	sld [smem:$0x0];
	_ =	sdelay $0x2  }
0xb8: {  	s31 =	sshll.u32 s1, $0xD;
	s1 =	sshrl.u32 s1, $0x2  }
0xb9: {  	s3 =	sand.u32 $0x4000, s31;
	s1 =	sadd.s32 s1, s30  }
0xba: {  	s0 =	sor.u32 s3, s0;
	s1 =	sshll.u32 s1, $0x11  }
0xbb: {  	s0 =	sor.u32 s1, s0  }
0xbc: {  	s0 =	sadd.s32 $0x8F2B, s0  }
0xbd: {  	[sflag:s0] =	ssyncadd.remote.s32 $0x1  }
0xbe: {  	_ =	sfence.sel $0xFFFF  }
0xbf: {  	[dreg:$0x0] =	wrdreg $0xFFFFFFFF;
	(pc) =	sbr.abs _section_cstart, $3  }
0xc0: {  	[dreg:$0x1] =	wrdreg $0xFFFFFFFF  }
0xc1: {  	_ =	task.clear_ibuf [dreg:s7], $0x2FFFF;
	_ =	strace $0x9FFFFFFF  }
0xc2: {  	(tm) =	ssettm $0x7FFFFFFF  }
0xc3: {  	_ =	shalt  }
tec
execute0_lowered:
.L_overlay_start_1:
0x0: {  	(tag) =	ssettag $0x1  }
0x1: {  	s0 =	rddreg [dreg:$0x0];
	s2 =	srdreg.scid  }
0x2: {  	s3 =	rddreg [dreg:$0x1];
	s1 =	stileid.u32  }
0x3: {  	s18 =	simm.s32 $0x60;
	s19 =	simm.s32 $0x80;
	s28 =	simm.s32 $0x160  }
0x4: {  	s29 =	simm.s32 $0x180;
	s30 =	simm.s32 $0x1A0;
	s31 =	simm.s32 $0x1C0  }
0x5: {  	s4 =	sand.u32 $0x1, s2;
	s5 =	sshll.u32 s1, $0x6;
	s2 =	simm.s32 $0x0  }
0x6: {  	s20 =	sshll.u32 s1, $0x9;
	s14 =	sadd.s32 $0x20E00, s3;
	s6 =	sshll.u32 s4, $0x5  }
0x7: {  	[smem:$0x7FF] =	sst s2;
	s4 =	ssub.s32 $0x2, s4;
	s5 =	sor.u32 s6, s5  }
0x8: {  	_ =	strace $0x80000047;
	s21 =	sshrl.u32 s4, $0x1;
	s6 =	sor.u32 s20, s5  }
0x9: {  	s15 =	ssub.s32 s4, s21;
	s25 =	sand.u32 $0x60, s5;
	s20 =	simm.s32 $0xA0  }
0xa: {  	s21 =	simm.s32 $0xC0;
	s6 =	sand.u32 $0x1C60, s6;
	s4 =	sshrl.u32 s25, $0x3  }
0xb: {  	s15 =	smax.u32 s15, $0x1;
	s25 =	simm.s32 $0x120;
	s7 =	sshrl.u32 s6, $0x3  }
0xc: {  	s5 =	sor.u32 s5, s4;
	s22 =	sadd.s32 s0, s7;
	s8 =	sor.u32 $0x10, s7  }
0xd: {  	s9 =	sor.u32 $0x20, s7;
	s10 =	sor.u32 $0x30, s7;
	s11 =	sor.u32 $0x40, s7  }
0xe: {  	s12 =	sor.u32 $0x50, s7;
	s13 =	sor.u32 $0x60, s5;
	s16 =	sor.u32 $0x70, s5  }
0xf: {  	s7 =	sadd.s32 s14, s7;
	[dreg:$0x3] =	wrdreg s22;
	s23 =	sadd.s32 s0, s8  }
0x10: {  	s24 =	sadd.s32 s0, s9;
	s26 =	sadd.s32 s0, s10;
	s3 =	sadd.s32 s0, s11  }
0x11: {  	s4 =	sadd.s32 s0, s12;
	s5 =	sadd.s32 s0, s13;
	s6 =	sadd.s32 s0, s16  }
0x12: {  	s8 =	sadd.s32 s14, s8;
	s9 =	sadd.s32 s14, s9;
	s10 =	sadd.s32 s14, s10  }
0x13: {  	s11 =	sadd.s32 s14, s11;
	s12 =	sadd.s32 s14, s12;
	[dreg:$0x4] =	wrdreg s23  }
0x14: {  	s13 =	sadd.s32 s14, s13;
	s14 =	sadd.s32 s14, s16;
	[dreg:$0x5] =	wrdreg s24  }
0x15: {  	s22 =	simm.s32 $0xE0;
	s0 =	simm.s32 $0x1E0;
	[dreg:$0x6] =	wrdreg s26  }
0x16: {  	v0 =	vimm.s32 $0x0;
	s23 =	simm.s32 $0x1;
	s24 =	simm.s32 $0x100;
	s26 =	simm.s32 $0x140  }
.LBB2_1:
0x17: {  	s1 =	rddreg [dreg:$0x3]  }
0x18: {  	[tilespmem:s2], [sflag:$0x1] =	stream.linear.gather [hbm4b:s1+s2], $0x20, $0x38;
	[tilespmem:$0x200] =	vst v63  }
0x19: {  	s16 =	rddreg [dreg:$0x4];
	s17 =	simm.s32 $0x20  }
0x1a: {  	[tilespmem:s17], [sflag:$0x1] =	stream.linear.gather [hbm4b:s16+s2], $0x20, $0x38;
	[tilespmem:$0x200] =	vst v63  }
0x1b: {  	s1 =	rddreg [dreg:$0x5];
	s17 =	simm.s32 $0x40  }
0x1c: {  	[tilespmem:s17], [sflag:$0x1] =	stream.linear.gather [hbm4b:s1+s2], $0x20, $0x38;
	[tilespmem:$0x200] =	vst v63  }
0x1d: {  	s16 =	rddreg [dreg:$0x6]  }
0x1e: {  	[tilespmem:s18], [sflag:$0x1] =	stream.linear.gather [hbm4b:s16+s2], $0x20, $0x38;
	[tilespmem:$0x200] =	vst v63  }
0x1f: {  	_ = 	snop  }
0x20: {  	[tilespmem:s19], [sflag:$0x1] =	stream.linear.gather [hbm4b:s3+s2], $0x20, $0x38;
	[tilespmem:$0x200] =	vst v63  }
0x21: {  	_ = 	snop  }
0x22: {  	[tilespmem:s20], [sflag:$0x1] =	stream.linear.gather [hbm4b:s4+s2], $0x20, $0x38;
	[tilespmem:$0x200] =	vst v63  }
0x23: {  	_ = 	snop  }
0x24: {  	[tilespmem:s21], [sflag:$0x1] =	stream.linear.gather [hbm4b:s5+s2], $0x20, $0x38;
	[tilespmem:$0x200] =	vst v63  }
0x25: {  	_ = 	snop  }
0x26: {  	[tilespmem:s22], [sflag:$0x1] =	stream.linear.gather [hbm4b:s6+s2], $0x20, $0x38;
	[tilespmem:$0x200] =	vst v63  }
0x27: {  	_ =	swait.ge [sflag:s23], $0x20  }
0x28: {  	[sflag:s23] =	ssyncset.done $0x0  }
0x29: {  	[sflag:s23] =	ssyncadd.s32 $0xFFFFFFE0  }
0x2a: {  	_ =	swait.ge [sflag:s23], $0x20  }
0x2b: {  	[sflag:s23] =	ssyncset.done $0x0  }
0x2c: {  	[sflag:s23] =	ssyncadd.s32 $0xFFFFFFE0  }
0x2d: {  	_ =	swait.ge [sflag:s23], $0x20  }
0x2e: {  	[sflag:s23] =	ssyncset.done $0x0  }
0x2f: {  	[sflag:s23] =	ssyncadd.s32 $0xFFFFFFE0  }
0x30: {  	_ =	swait.ge [sflag:s23], $0x20  }
0x31: {  	[sflag:s23] =	ssyncset.done $0x0  }
0x32: {  	[sflag:s23] =	ssyncadd.s32 $0xFFFFFFE0  }
0x33: {  	_ =	swait.ge [sflag:s23], $0x20  }
0x34: {  	[sflag:s23] =	ssyncset.done $0x0  }
0x35: {  	[sflag:s23] =	ssyncadd.s32 $0xFFFFFFE0  }
0x36: {  	_ =	swait.ge [sflag:s23], $0x20  }
0x37: {  	[sflag:s23] =	ssyncset.done $0x0  }
0x38: {  	[sflag:s23] =	ssyncadd.s32 $0xFFFFFFE0  }
0x39: {  	_ =	swait.ge [sflag:s23], $0x20  }
0x3a: {  	[sflag:s23] =	ssyncset.done $0x0  }
0x3b: {  	[sflag:s23] =	ssyncadd.s32 $0xFFFFFFE0  }
0x3c: {  	_ =	swait.ge [sflag:s23], $0x20  }
0x3d: {  	[sflag:s23] =	ssyncset.done $0x0  }
0x3e: {  	[sflag:s23] =	ssyncadd.s32 $0xFFFFFFE0  }
0x3f: {  	v1 =	vld [tilespmem:$0x0];
	_ =	sdelay $0x1  }
0x40: {  	v2 =	vld [tilespmem:$0x20];
	_ =	sdelay $0x2  }
0x41: {  	v3 =	vld [tilespmem:$0x40];
	vm0 =	vgt.f32 v1, $-1.000000020e+30  }
0x42: {  	v1 =	vnsel vm0, $0xF149F2CA, v1  }
0x43: {  	vm1 =	vgt.f32 v2, $-1.000000020e+30;
	vm6 =	vgt.f32 v2, v1  }
0x44: {  	v5 =	vld [tilespmem:$0x60];
	v4 =	vnsel vm1, $0xF149F2CA, v2;
	vm13 =	vmneg vm6  }
0x45: {  	v4 =	vsel vm13, v4, v1  }
0x46: {  	v1 =	vsel vm13, v1, v2;
	vm3 =	vgt.f32 v3, v4  }
0x47: {  	vm9 =	vgt.f32 v3, v1;
	v2 =	vsel vm3, v3, v4  }
0x48: {  	v22 =	vld [tilespmem:$0x80];
	v2 =	vsel vm9, v1, v2  }
0x49: {  	v1 =	vsel vm9, v3, v1;
	v3 =	vimm.s32 $0x0;
	vm12 =	vgt.f32 v5, v2  }
0x4a: {  	v3 =	vsel vm12, $0xFFFFFFFF, v3  }
0x4b: {  	vm4 =	vgt.f32 v5, v1;
	v2 =	vsel vm12, v5, v2;
	[tilespmem:$0x1FF60] =	vst v3;
	v3 =	vld [tilespmem:$0xA0]  }
0x4c: {  	v2 =	vsel vm4, v1, v2  }
0x4d: {  	v1 =	vsel vm4, v5, v1;
	vm14 =	vgt.f32 v22, v2  }
0x4e: {  	v24 =	vld [tilespmem:$0xC0];
	vm5 =	vgt.f32 v22, v1;
	v2 =	vsel vm14, v22, v2  }
0x4f: {  	v2 =	vsel vm5, v1, v2  }
0x50: {  	v1 =	vsel vm5, v22, v1;
	vm15 =	vgt.f32 v3, v2  }
0x51: {  	vm8 =	vgt.f32 v3, v1;
	v2 =	vsel vm15, v3, v2  }
0x52: {  	v26 =	vld [tilespmem:$0xE0];
	v2 =	vsel vm8, v1, v2  }
0x53: {  	v6 =	vld [tilespmem:$0x10];
	v1 =	vsel vm8, v3, v1;
	v3 =	vimm.s32 $0x0;
	vm7 =	vgt.f32 v24, v2  }
0x54: {  	v3 =	vsel vm7, $0xFFFFFFFF, v3  }
0x55: {  	v23 =	vimm.s32 $0x0;
	vm10 =	vgt.f32 v24, v1;
	v2 =	vsel vm7, v24, v2;
	[tilespmem:$0x1FF90] =	vst v3;
	v3 =	vld [tilespmem:$0x30]  }
0x56: {  	v25 =	vimm.s32 $0x0;
	v2 =	vsel vm10, v1, v2;
	v1 =	vsel vm10, v24, v1  }
0x57: {  	v5 =	vsel vm14, $0xFFFFFFFF, v23;
	vm11 =	vgt.f32 v26, v1;
	vm14 =	vgt.f32 v26, v2  }
0x58: {  	v27 =	vld [tilespmem:$0x50];
	vm7 =	vgt.f32 v6, $-1.000000020e+30;
	vm2 =	vmneg vm11;
	v2 =	vsel vm14, v26, v2  }
0x59: {  	v4 =	vsel vm15, $0xFFFFFFFF, v25;
	v6 =	vnsel vm7, $0xF149F2CA, v6;
	v2 =	vsel vm2, v2, v1  }
0x5a: {  	v1 =	vsel vm2, v1, v26;
	vm15 =	vgt.f32 v3, v6;
	vm11 =	vgt.f32 v3, $-1.000000020e+30  }
0x5b: {  	v30 =	vld [tilespmem:$0x70];
	v1 =	vsub.f32 v2, v1;
	v29 =	vnsel vm11, $0xF149F2CA, v3;
	vm7 =	vmneg vm15  }
0x5c: {  	v7 =	vimm.s32 $0x0;
	v28 =	vimm.s32 $0x0;
	v2 =	vsel vm7, v29, v6  }
0x5d: {  	v1 =	vmul.f32 $1.442695020e+00, v1;
	v3 =	vsel vm7, v6, v3;
	vm12 =	vgt.f32 v27, v2  }
0x5e: {  	v7 =	vsel vm15, $0xFFFFFFFF, v7;
	vm0 =	vgt.f32 v27, v3;
	v2 =	vsel vm12, v27, v2  }
0x5f: {  	v32 =	vld [tilespmem:$0x90];
	[tilespmem:$0x1FFB0] =	vst v7;
	v7 =	vsel vm11, $0xFFFFFFFF, v28;
	(erf) = vpow2.f32 v1;
	v2 =	vsel vm0, v3, v2  }
0x60: {  	v1 =	vsel vm0, v27, v3;
	v3 =	vimm.s32 $0x0;
	vm11 =	vgt.f32 v30, v2  }
0x61: {  	v3 =	vsel vm11, $0xFFFFFFFF, v3  }
0x62: {  	v2 =	vsel vm11, v30, v2;
	vm11 =	vgt.f32 v30, v1;
	[tilespmem:$0x1FFD0] =	vst v3;
	v3 =	vld [tilespmem:$0xB0]  }
0x63: {  	v31 =	vimm.s32 $0x0;
	v33 =	vimm.s32 $0x0;
	v2 =	vsel vm11, v1, v2  }
0x64: {  	[tilespmem:$0x1FF80] =	vst v4;
	v4 =	vsel vm12, $0xFFFFFFFF, v31;
	v1 =	vsel vm11, v30, v1;
	vm12 =	vgt.f32 v32, v2  }
0x65: {  	[tilespmem:$0x1FF70] =	vst v5;
	v5 =	vsel vm12, $0xFFFFFFFF, v33;
	v2 =	vsel vm12, v32, v2;
	vm12 =	vgt.f32 v32, v1  }
0x66: {  	v2 =	vsel vm12, v1, v2  }
0x67: {  	v34 =	vld [tilespmem:$0xD0];
	vm1 =	vmand vm1, vm13;
	v1 =	vsel vm12, v32, v1;
	vm13 =	vgt.f32 v3, v2  }
0x68: {  	v36 =	vsel vm1, $0x1, v0;
	v8 =	vpop (erf);
	vm1 =	vgt.f32 v3, v1;
	v2 =	vsel vm13, v3, v2  }
0x69: {  	v2 =	vsel vm1, v1, v2;
	v1 =	vsel vm1, v3, v1;
	v3 =	vadd.f32 $1.000000000e+00, v8  }
0x6a: {  	v37 =	vld [tilespmem:$0xF0]  }
0x6b: {  	v35 =	vimm.s32 $0x0;
	(erf) = vrcp.f32 v3;
	v3 =	vld [tilespmem:$0x1FF60]  }
0x6c: {  	v38 =	vsel vm6, $0x1, v0;
	[tilespmem:$0x1FFC0] =	vst v4;
	v4 =	vsel vm13, $0xFFFFFFFF, v35;
	vm13 =	vgt.f32 v34, v2  }
0x6d: {  	v40 =	vld [tilespmem:$0x1FF70];
	[tilespmem:$0x1FFA0] =	vst v7;
	v7 =	vsel vm9, $0x2, v38;
	vm6 =	vgt.f32 v34, v1;
	v2 =	vsel vm13, v34, v2  }
0x6e: {  	[tilespmem:$0x1FFF0] =	vst v4;
	v4 =	vsel vm3, $0x2, v36;
	v2 =	vsel vm6, v1, v2;
	v1 =	vsel vm6, v34, v1  }
0x6f: {  	v41 =	vld [tilespmem:$0x1FF80];
	v4 =	vsel vm9, v38, v4;
	vm3 =	vgt.f32 v37, v1;
	vm9 =	vgt.f32 v37, v2  }
0x70: {  	vm3 =	vmneg vm3;
	v2 =	vsel vm9, v37, v2;
	vm15 =	vnez.u8 v3  }
0x71: {  	v42 =	vld [tilespmem:$0x1FF90];
	v2 =	vsel vm3, v2, v1;
	v3 =	vsel vm15, $0x3, v4  }
0x72: {  	v1 =	vsel vm3, v1, v37;
	vm15 =	vnez.u8 v40;
	v3 =	vsel vm4, v7, v3  }
0x73: {  	v39 =	vsel vm4, $0x3, v7;
	v1 =	vsub.f32 v2, v1;
	v3 =	vsel vm15, $0x4, v3  }
0x74: {  	vm15 =	vnez.u8 v41;
	v2 =	vsel vm5, v39, v3  }
0x75: {  	v1 =	vmul.f32 $1.442695020e+00, v1;
	v3 =	vsel vm5, $0x4, v39;
	v2 =	vsel vm15, $0x5, v2  }
0x76: {  	v2 =	vsel vm8, v3, v2;
	v3 =	vsel vm8, $0x5, v3;
	vm8 =	vnez.u8 v42  }
0x77: {  	v2 =	vsel vm8, $0x6, v2  }
0x78: {  	(erf) = vpow2.f32 v1  }
0x79: {  	v46 =	vld [tilespmem:$0x1FFA0];
	v1 =	vsel vm10, v3, v2  }
0x7a: {  	v9 =	vld [tilespmem:$0x1FFB0];
	v3 =	vsel vm10, $0x6, v3;
	v1 =	vsel vm14, $0x7, v1;
	v2 =	vpop (erf)  }
0x7b: {  	v11 =	vld [tilespmem:$0x1FFD0];
	v1 =	vsel vm2, v1, v3;
	v43 =	vsub.f32 $1.000000000e+00, v2  }
0x7c: {  	vm10 =	vmand vm10, vm2;
	v3 =	vnsel vm2, $0x7, v3;
	vm14 =	veq.s32 v1, $0x0  }
0x7d: {  	v10 =	vld [tilespmem:$0x1FFC0];
	vm15 =	veq.s32 v3, $0x0;
	vm8 =	veq.s32 v1, $0x1;
	v44 =	vnsel vm14, $0x0, v43  }
0x7e: {  	v45 =	vnsel vm8, $0x0, v43;
	vm14 =	vnez.u8 v46;
	vm8 =	veq.s32 v1, $0x2  }
0x7f: {  	[tilespmem:$0x1FFE0] =	vst v5;
	v12 =	vld [tilespmem:$0x1FFF0];
	v5 =	vsel vm15, v2, v44;
	vm4 =	vmand vm14, vm7;
	vm15 =	veq.s32 v3, $0x1  }
0x80: {  	v48 =	vnsel vm8, $0x0, v43;
	vm14 =	vnez.u8 v9;
	vm8 =	vnez.u8 v11  }
0x81: {  	v49 =	vpop (erf);
	vm7 =	veq.s32 v1, $0x6;
	v6 =	vsel vm15, v2, v45;
	v47 =	vsel vm4, $0x1, v0  }
0x82: {  	v52 =	vld [tilespmem:$0x1FFE0];
	v9 =	vsel vm14, $0x1, v0;
	vm15 =	vnez.u8 v10;
	v10 =	vadd.f32 $1.000000000e+00, v49  }
0x83: {  	vm14 =	veq.s32 v1, $0x3;
	v13 =	vnsel vm7, $0x0, v43;
	v7 =	vsel vm15, $0x2, v47  }
0x84: {  	v50 =	vnsel vm14, $0x0, v43;
	vm15 =	veq.s32 v3, $0x3;
	vm14 =	vnez.u8 v12  }
0x85: {  	v55 =	vsel vm10, v2, v13;
	v7 =	vsel vm0, v9, v7;
	v9 =	vsel vm0, $0x2, v9  }
0x86: {  	vm0 =	veq.s32 v3, $0x2;
	(erf) = vrcp.f32 v10;
	v7 =	vsel vm8, $0x3, v7  }
0x87: {  	v51 =	vsel vm15, v2, v50;
	vm8 =	vnez.u8 v52;
	v7 =	vsel vm11, v9, v7  }
0x88: {  	vm15 =	veq.s32 v1, $0x5;
	v9 =	vsel vm11, $0x3, v9;
	v7 =	vsel vm8, $0x4, v7  }
0x89: {  	v8 =	vsel vm0, v2, v48;
	v54 =	vnsel vm15, $0x0, v43;
	v7 =	vsel vm12, v9, v7  }
0x8a: {  	vm11 =	veq.s32 v1, $0x4;
	v9 =	vsel vm12, $0x4, v9;
	v7 =	vsel vm14, $0x5, v7  }
0x8b: {  	v53 =	vnsel vm11, $0x0, v43;
	vm8 =	veq.s32 v3, $0x5;
	v7 =	vsel vm1, v9, v7  }
0x8c: {  	vm11 =	veq.s32 v1, $0x7;
	v9 =	vsel vm1, $0x5, v9;
	v7 =	vsel vm13, $0x6, v7  }
0x8d: {  	[tilespmem:$0x100] =	vst v5;
	vm12 =	veq.s32 v3, $0x4;
	v3 =	vsel vm8, v2, v54;
	v56 =	vsel vm6, v9, v7  }
0x8e: {  	[tilespmem:$0x120] =	vst v6;
	v4 =	vnsel vm11, $0x0, v43;
	v1 =	vsel vm6, $0x6, v9;
	v5 =	vsel vm9, $0x7, v56  }
0x8f: {  	[tilespmem:$0x1C0] =	vst v55;
	v11 =	vsel vm12, v2, v53;
	v2 =	vsel vm2, v4, v2;
	v57 =	vpop (erf);
	v5 =	vsel vm3, v5, v1  }
0x90: {  	[tilespmem:$0x160] =	vst v51;
	v58 =	vsub.f32 $1.000000000e+00, v57;
	v1 =	vnsel vm3, $0x7, v1;
	vm12 =	veq.s32 v5, $0x0  }
0x91: {  	[tilespmem:$0x140] =	vst v8;
	vm13 =	veq.s32 v1, $0x0;
	vm14 =	veq.s32 v5, $0x1;
	vm15 =	veq.s32 v5, $0x2  }
0x92: {  	[tilespmem:$0x1A0] =	vst v3;
	vm4 =	veq.s32 v1, $0x1;
	vm5 =	veq.s32 v1, $0x2;
	vm7 =	veq.s32 v5, $0x3  }
0x93: {  	[tilespmem:$0x180] =	vst v11;
	vm8 =	veq.s32 v1, $0x3;
	vm9 =	veq.s32 v5, $0x4;
	v59 =	vnsel vm12, $0x0, v58  }
0x94: {  	[tilespmem:$0x1E0] =	vst v2;
	vm10 =	veq.s32 v5, $0x5;
	v60 =	vnsel vm14, $0x0, v58;
	v3 =	vsel vm13, v57, v59  }
0x95: {  	vm11 =	veq.s32 v1, $0x4;
	v61 =	vnsel vm15, $0x0, v58;
	v2 =	vsel vm4, v57, v60;
	[tilespmem:$0x110] =	vst v3  }
0x96: {  	v63 =	vnsel vm10, $0x0, v58;
	v62 =	vsel vm5, v57, v61;
	v3 =	vnsel vm7, $0x0, v58;
	[tilespmem:$0x130] =	vst v2  }
0x97: {  	vm12 =	veq.s32 v1, $0x5;
	[tilespmem:$0x150] =	vst v62;
	v2 =	vsel vm8, v57, v3;
	v3 =	vnsel vm9, $0x0, v58  }
0x98: {  	vm14 =	vmand vm6, vm3;
	vm13 =	veq.s32 v5, $0x6;
	[tilespmem:$0x170] =	vst v2;
	v1 =	vsel vm11, v57, v3  }
0x99: {  	vm15 =	veq.s32 v5, $0x7;
	v2 =	vsel vm12, v57, v63;
	[tilespmem:$0x190] =	vst v1;
	v1 =	vnsel vm13, $0x0, v58  }
0x9a: {  	[tilespmem:$0x1B0] =	vst v2;
	v2 =	vnsel vm15, $0x0, v58;
	v1 =	vsel vm14, v57, v1  }
0x9b: {  	[tilespmem:$0x1D0] =	vst v1;
	v1 =	vsel vm3, v2, v57  }
0x9c: {  	[tilespmem:$0x1F0] =	vst v1  }
0x9d: {  	[hbm4b:s7+s2] =	stream.linear.scatter [tilespmem:s24], [sflag:$0x1], $0x20, $0x38;
	[tilespmem:$0x200] =	vst v63  }
0x9e: {  	_ = 	snop  }
0x9f: {  	[hbm4b:s8+s2] =	stream.linear.scatter [tilespmem:s25], [sflag:$0x1], $0x20, $0x38;
	[tilespmem:$0x200] =	vst v63  }
0xa0: {  	_ = 	snop  }
0xa1: {  	[hbm4b:s9+s2] =	stream.linear.scatter [tilespmem:s26], [sflag:$0x1], $0x20, $0x38;
	[tilespmem:$0x200] =	vst v63  }
0xa2: {  	_ = 	snop  }
0xa3: {  	[hbm4b:s10+s2] =	stream.linear.scatter [tilespmem:s28], [sflag:$0x1], $0x20, $0x38;
	[tilespmem:$0x200] =	vst v63  }
0xa4: {  	_ = 	snop  }
0xa5: {  	[hbm4b:s11+s2] =	stream.linear.scatter [tilespmem:s29], [sflag:$0x1], $0x20, $0x38;
	[tilespmem:$0x200] =	vst v63  }
0xa6: {  	_ = 	snop  }
0xa7: {  	[hbm4b:s12+s2] =	stream.linear.scatter [tilespmem:s30], [sflag:$0x1], $0x20, $0x38;
	[tilespmem:$0x200] =	vst v63  }
0xa8: {  	_ = 	snop  }
0xa9: {  	[hbm4b:s13+s2] =	stream.linear.scatter [tilespmem:s31], [sflag:$0x1], $0x20, $0x38;
	[tilespmem:$0x200] =	vst v63  }
0xaa: {  	_ = 	snop  }
0xab: {  	[hbm4b:s14+s2] =	stream.linear.scatter [tilespmem:s0], [sflag:$0x1], $0x20, $0x38;
	[tilespmem:$0x200] =	vst v63  }
0xac: {  	_ =	swait.ge [sflag:s23], $0x20  }
0xad: {  	[sflag:s23] =	ssyncset.done $0x0  }
0xae: {  	[sflag:s23] =	ssyncadd.s32 $0xFFFFFFE0  }
0xaf: {  	_ =	swait.ge [sflag:s23], $0x20  }
0xb0: {  	[sflag:s23] =	ssyncset.done $0x0  }
0xb1: {  	[sflag:s23] =	ssyncadd.s32 $0xFFFFFFE0  }
0xb2: {  	_ =	swait.ge [sflag:s23], $0x20  }
0xb3: {  	[sflag:s23] =	ssyncset.done $0x0  }
0xb4: {  	[sflag:s23] =	ssyncadd.s32 $0xFFFFFFE0  }
0xb5: {  	_ =	swait.ge [sflag:s23], $0x20  }
0xb6: {  	[sflag:s23] =	ssyncset.done $0x0  }
0xb7: {  	[sflag:s23] =	ssyncadd.s32 $0xFFFFFFE0  }
0xb8: {  	_ =	swait.ge [sflag:s23], $0x20  }
0xb9: {  	[sflag:s23] =	ssyncset.done $0x0  }
0xba: {  	[sflag:s23] =	ssyncadd.s32 $0xFFFFFFE0  }
0xbb: {  	_ =	swait.ge [sflag:s23], $0x20  }
0xbc: {  	[sflag:s23] =	ssyncset.done $0x0  }
0xbd: {  	[sflag:s23] =	ssyncadd.s32 $0xFFFFFFE0  }
0xbe: {  	p0 =	sne.s32 s15, $0x1;
	_ =	swait.ge [sflag:s23], $0x20  }
.Ltmp0:
0xbf: {  	[sflag:s23] =	ssyncset.done $0x0;
	(pc) =	sbr.rel @p0 .LBB2_1-.Ltmp0, $4  }
0xc0: {  	[sflag:s23] =	ssyncadd.s32 $0xFFFFFFE0  }
0xc1: {  	_ =	swait.ge [sflag:s23], $0x20  }
0xc2: {  	[sflag:s23] =	ssyncset.done $0x0  }
0xc3: {  	s15 =	sadd.s32 $0xFFFFFFFF, s15;
	[sflag:s23] =	ssyncadd.s32 $0xFFFFFFE0  }
0xc4: {  	_ =	sfence.sel $0x180000  }
0xc5: {  	[bflag:$0x0] =	sbarrier.arrive $0xFFFF  }
0xc6: {  	_ =	strace $0x90000047  }
0xc7: {  	s0 =	stileid.u32;
	[bflag:$0x2] =	sbarrier.arrive $0xFFFF  }
0xc8: {  	p0 =	sne.s32 s0, $0x0;
	s0 =	rddreg [dreg:$0x2]  }
0xc9: {  	s0 =	sadd.s32 @!p0 $0x100000, s0  }
0xca: {  	[sflag:s0] =	ssyncadd.tile.s32 @!p0 $0x1;
	_ =	shalt  }
.Lfunc_end2:
_tile_overlayer_lowered:
.L_overlay_start_2:
0xcb: {  	(tag) =	ssettag $0x2  }
0xcc: {  	s0 =	rddreg [dreg:$0x0];
	s2 =	stileid.u32  }
0xcd: {  	s1 =	rddreg [dreg:$0x1];
	p0 =	sne.s32 s2, $0x0  }
0xce: {  	s3 =	rddreg [dreg:$0x2];
	[bflag:$0x3] =	sbarrier.arrive $0xFFFF;
	s2 =	simm.s32 @!p0 $0x1C02  }
0xcf: {  	[timem:s3], [sflag:s2] =	dma.local @!p0 [hbm:s0], s1  }
0xd0: {  	s0 =	simm.s32 @!p0 $0x2  }
0xd1: {  	_ =	swait.ge @!p0 [sflag:s0], s1  }
0xd2: {  	s1 =	ssub.s32 @!p0 $0x0, s1;
	[sflag:s0] =	ssyncset.done @!p0 $0x0  }
0xd3: {  	[sflag:s0] =	ssyncadd.s32 @!p0 s1  }
0xd4: {  	[bflag:$0x3] =	sbarrier.arrive $0xFFFF  }
0xd5: {  	_ =	shalt  }

</sc_bundles>
